<compile_context>
chip_gen: v7x
topology: tpu7x:2x2x1
jax: 0.10.2.dev20260603
libtpu: 0.0.44.dev20260713+nightly
codegen_flags: <defaults>
</compile_context>

<pallas_src>
import functools

import jax
import jax.numpy as jnp
from jax import lax
from jax.experimental import pallas as pl
from jax.experimental.pallas import tpu as pltpu
from jax.experimental.pallas import tpu_sc as plsc

_TOKS = [345, 1101, 4523, 9872, 15000]
_B, _S, _V = 8, 512, 32000
_NT = len(_TOKS)
_L = 16
_W = 128

_mesh = plsc.VectorSubcoreMesh(
    core_axis_name="c", subcore_axis_name="s", num_cores=1)


@functools.partial(
    pl.kernel,
    mesh=_mesh,
    compiler_params=pltpu.CompilerParams(needs_layout_passes=False),
    out_type=jax.ShapeDtypeStruct((_B, _NT), jnp.float32),
    scratch_types=[
        pltpu.VMEM((_S,), jnp.int32),
        pltpu.VMEM((_NT * _B, _W), jnp.float32),
        pltpu.VMEM((_B, _NT), jnp.float32),
        pltpu.SemaphoreType.DMA,
    ],
)
def _sc_probs(logits_hbm, mask_hbm, out_hbm, mrow_v, rows_v, res_v, sem):
    cid = lax.axis_index("c")
    sid = lax.axis_index("s")

    @pl.when(jnp.logical_and(cid == 0, sid == 0))
    def _():
        lane = lax.iota(jnp.int32, _L)

        def start_gathers(idx):
            copies = []
            for j in range(_NT):
                src = logits_hbm.at[:, idx, pl.ds((_TOKS[j] // _W) * _W, _W)]
                copies.append(pltpu.make_async_copy(
                    src, rows_v.at[pl.ds(j * _B, _B)], sem))
            for c in copies:
                c.start()
            return copies

        spec = start_gathers(_S - 1)

        pltpu.sync_copy(mask_hbm.at[0, pl.ds(0, _S)], mrow_v)
        acc = mrow_v[pl.ds(0, _L)]
        for i in range(1, _S // _L):
            acc = acc + mrow_v[pl.ds(i * _L, _L)]
        total = acc[0]
        for i in range(1, _L):
            total = total + acc[i]
        last_idx = total - 1
        for c in spec:
            c.wait()

        @pl.when(last_idx != _S - 1)
        def _regather():
            for c in start_gathers(last_idx):
                c.wait()

        bvec = jnp.where(lane < _B, lane, 0)
        vals = []
        for j in range(_NT):
            rids = j * _B + bvec
            cidx = lane * 0 + (_TOKS[j] % _W)
            vals.append(plsc.load_gather(rows_v, [rids, cidx]))
        m = vals[0]
        for j in range(1, _NT):
            m = jnp.maximum(m, vals[j])
        exps = [jnp.exp(v - m) for v in vals]
        s = exps[0]
        for j in range(1, _NT):
            s = s + exps[j]
        valid = lane < _B
        for j in range(_NT):
            plsc.store_scatter(res_v, [bvec, lane * 0 + j], exps[j] / s,
                               mask=valid)
        pltpu.sync_copy(res_v, out_hbm)


def kernel(logits, padding_mask):
    return _sc_probs(logits, padding_mask)

# --- scband reference (transcript-rebuilt; emitter-appended) ---
"""Pipeline reference for scband-token-probability-layer-74663711473914 (READ-ONLY COPY).

The authoritative reference and input builder live on the scoring server;
editing this copy changes nothing except your own understanding.
"""

import jax, jax.numpy as jnp
import numpy as np

TOKEN_SET_IDX = [345, 1101, 4523, 9872, 15000]
B, S, V = 8, 512, 32000

def setup_inputs(seed: int = 0) -> dict:
    key = jax.random.key(seed)
    k1, _ = jax.random.split(key)
    logits = jax.random.normal(k1, (B, S, V), dtype=jnp.float32)
    padding_mask = jnp.ones((B, S), dtype=jnp.int32)
    return {"logits": logits, "padding_mask": padding_mask}

def reference(logits, padding_mask):
    # offset = sum(padding_mask, axis=1) - 1
    offset = jnp.sum(padding_mask, axis=1) - 1
    last_prompt_index = offset.astype(jnp.int32)
    # keras.ops.take(logits, idx, axis=1) -> [B, B, V]; then [:, 0] -> [B, V]
    last_logits = jnp.take(logits, last_prompt_index, axis=1)[:, 0]
    token_logits_list = [last_logits[:, idx] for idx in TOKEN_SET_IDX]
    token_logits_stacked = jnp.stack(token_logits_list, axis=1)
    return jax.nn.softmax(token_logits_stacked, axis=1)

if __name__ == "__main__":
    import jax
    _d = setup_inputs()
    print(jax.jit(kernel)(*tuple(_d.values())))

</pallas_src>

<mosaic_0001>
#map = affine_map<(d0, d1) -> (0, 0, 0)>
#map1 = affine_map<(d0, d1) -> (0, 0)>
module attributes {stable_mosaic.version = 14 : i64} {
  func.func @_sc_probs(%arg0: i32, %arg1: i32, %arg2: memref<8x512x32000xf32, #tpu.memory_space<hbm>>, %arg3: memref<8x512xi32, #tpu.memory_space<hbm>>, %arg4: memref<8x5xf32, #tpu.memory_space<hbm>>, %arg5: memref<512xi32, #tpu.memory_space<vmem>>, %arg6: memref<40x128xf32, #tpu.memory_space<vmem>>, %arg7: memref<8x5xf32, #tpu.memory_space<vmem>>, %arg8: memref<!tpu.dma_semaphore, #tpu.memory_space<semaphore_mem>>) attributes {dimension_semantics = [#tpu.dimension_semantics<core_parallel>, #tpu.dimension_semantics<subcore_parallel>], iteration_bounds = array<i64: 1, 16>, scalar_prefetch = 0 : i64, scratch_operands = 4 : i64, tpu.core_type = #tpu.core_type<sc_vector_subcore>, window_params = [{transform_indices = #map}, {transform_indices = #map1}, {transform_indices = #map1}]} {
    %eq3A = arith.constant 0 : i32
    %eq3A_0 = arith.cmpi eq, %arg0, %eq3A : i32
    %eq3A_1 = arith.constant 0 : i32
    %eq3A_2 = arith.cmpi eq, %arg1, %eq3A_1 : i32
    %and3A = arith.andi %eq3A_0, %eq3A_2 : i1
    %convert_element_type3A = arith.extui %and3A : i1 to i32
    %cond3A = arith.constant 0 : i32
    %cond3A_3 = arith.cmpi ne, %convert_element_type3A, %cond3A : i32
    scf.if %cond3A_3 {
      %iota3A = tpu.iota {dimensions = array<i32: 0>} : vector<16xi32>
      %dma_start3A = arith.constant 511 : i32
      %dma_start3A_4 = arith.constant 0 : i32
      %dma_start3A_5 = arith.constant 0 : i32
      %dma_start3A_6 = tpu.memref_slice %arg6[%dma_start3A_4, %dma_start3A_5] : memref<40x128xf32, #tpu.memory_space<vmem>> -> memref<8x128xf32, #tpu.memory_space<vmem>>
      %dma_start3A_7 = arith.constant 0 : i32
      %dma_start3A_8 = arith.constant 256 : i32
      %dma_start3A_9 = tpu.memref_slice %arg2[%dma_start3A_7, %dma_start3A, %dma_start3A_8] : memref<8x512x32000xf32, #tpu.memory_space<hbm>> -> memref<8x1x128xf32, #tpu.memory_space<hbm>>
      %dma_start3A_10 = tpu.memref_squeeze %dma_start3A_9 : memref<8x1x128xf32, #tpu.memory_space<hbm>> -> memref<8x128xf32, #tpu.memory_space<hbm>>
      %dma_start3A_11 = arith.constant 0 : i32
      %dma_start3A_12 = arith.constant 0 : i32
      %dma_start3A_13 = tpu.memref_slice %arg6[%dma_start3A_11, %dma_start3A_12] : memref<40x128xf32, #tpu.memory_space<vmem>> -> memref<8x128xf32, #tpu.memory_space<vmem>>
      %dma_start3A_14 = arith.constant 0 : i32
      %dma_start3A_15 = arith.constant 256 : i32
      %dma_start3A_16 = tpu.memref_slice %arg2[%dma_start3A_14, %dma_start3A, %dma_start3A_15] : memref<8x512x32000xf32, #tpu.memory_space<hbm>> -> memref<8x1x128xf32, #tpu.memory_space<hbm>>
      %dma_start3A_17 = tpu.memref_squeeze %dma_start3A_16 : memref<8x1x128xf32, #tpu.memory_space<hbm>> -> memref<8x128xf32, #tpu.memory_space<hbm>>
      tpu.enqueue_dma source(%dma_start3A_17 : memref<8x128xf32, #tpu.memory_space<hbm>>) target(%dma_start3A_13 : memref<8x128xf32, #tpu.memory_space<vmem>>) target_semaphore(%arg8 : memref<!tpu.dma_semaphore, #tpu.memory_space<semaphore_mem>>)
      %dma_start3A_18 = arith.constant 511 : i32
      %dma_start3A_19 = arith.constant 8 : i32
      %dma_start3A_20 = arith.constant 0 : i32
      %dma_start3A_21 = tpu.memref_slice %arg6[%dma_start3A_19, %dma_start3A_20] : memref<40x128xf32, #tpu.memory_space<vmem>> -> memref<8x128xf32, #tpu.memory_space<vmem>>
      %dma_start3A_22 = arith.constant 0 : i32
      %dma_start3A_23 = arith.constant 1024 : i32
      %dma_start3A_24 = tpu.memref_slice %arg2[%dma_start3A_22, %dma_start3A_18, %dma_start3A_23] : memref<8x512x32000xf32, #tpu.memory_space<hbm>> -> memref<8x1x128xf32, #tpu.memory_space<hbm>>
      %dma_start3A_25 = tpu.memref_squeeze %dma_start3A_24 : memref<8x1x128xf32, #tpu.memory_space<hbm>> -> memref<8x128xf32, #tpu.memory_space<hbm>>
      %dma_start3A_26 = arith.constant 8 : i32
      %dma_start3A_27 = arith.constant 0 : i32
      %dma_start3A_28 = tpu.memref_slice %arg6[%dma_start3A_26, %dma_start3A_27] : memref<40x128xf32, #tpu.memory_space<vmem>> -> memref<8x128xf32, #tpu.memory_space<vmem>>
      %dma_start3A_29 = arith.constant 0 : i32
      %dma_start3A_30 = arith.constant 1024 : i32
      %dma_start3A_31 = tpu.memref_slice %arg2[%dma_start3A_29, %dma_start3A_18, %dma_start3A_30] : memref<8x512x32000xf32, #tpu.memory_space<hbm>> -> memref<8x1x128xf32, #tpu.memory_space<hbm>>
      %dma_start3A_32 = tpu.memref_squeeze %dma_start3A_31 : memref<8x1x128xf32, #tpu.memory_space<hbm>> -> memref<8x128xf32, #tpu.memory_space<hbm>>
      tpu.enqueue_dma source(%dma_start3A_32 : memref<8x128xf32, #tpu.memory_space<hbm>>) target(%dma_start3A_28 : memref<8x128xf32, #tpu.memory_space<vmem>>) target_semaphore(%arg8 : memref<!tpu.dma_semaphore, #tpu.memory_space<semaphore_mem>>)
      %dma_start3A_33 = arith.constant 511 : i32
      %dma_start3A_34 = arith.constant 16 : i32
      %dma_start3A_35 = arith.constant 0 : i32
      %dma_start3A_36 = tpu.memref_slice %arg6[%dma_start3A_34, %dma_start3A_35] : memref<40x128xf32, #tpu.memory_space<vmem>> -> memref<8x128xf32, #tpu.memory_space<vmem>>
      %dma_start3A_37 = arith.constant 0 : i32
      %dma_start3A_38 = arith.constant 4480 : i32
      %dma_start3A_39 = tpu.memref_slice %arg2[%dma_start3A_37, %dma_start3A_33, %dma_start3A_38] : memref<8x512x32000xf32, #tpu.memory_space<hbm>> -> memref<8x1x128xf32, #tpu.memory_space<hbm>>
      %dma_start3A_40 = tpu.memref_squeeze %dma_start3A_39 : memref<8x1x128xf32, #tpu.memory_space<hbm>> -> memref<8x128xf32, #tpu.memory_space<hbm>>
      %dma_start3A_41 = arith.constant 16 : i32
      %dma_start3A_42 = arith.constant 0 : i32
      %dma_start3A_43 = tpu.memref_slice %arg6[%dma_start3A_41, %dma_start3A_42] : memref<40x128xf32, #tpu.memory_space<vmem>> -> memref<8x128xf32, #tpu.memory_space<vmem>>
      %dma_start3A_44 = arith.constant 0 : i32
      %dma_start3A_45 = arith.constant 4480 : i32
      %dma_start3A_46 = tpu.memref_slice %arg2[%dma_start3A_44, %dma_start3A_33, %dma_start3A_45] : memref<8x512x32000xf32, #tpu.memory_space<hbm>> -> memref<8x1x128xf32, #tpu.memory_space<hbm>>
      %dma_start3A_47 = tpu.memref_squeeze %dma_start3A_46 : memref<8x1x128xf32, #tpu.memory_space<hbm>> -> memref<8x128xf32, #tpu.memory_space<hbm>>
      tpu.enqueue_dma source(%dma_start3A_47 : memref<8x128xf32, #tpu.memory_space<hbm>>) target(%dma_start3A_43 : memref<8x128xf32, #tpu.memory_space<vmem>>) target_semaphore(%arg8 : memref<!tpu.dma_semaphore, #tpu.memory_space<semaphore_mem>>)
      %dma_start3A_48 = arith.constant 511 : i32
      %dma_start3A_49 = arith.constant 24 : i32
      %dma_start3A_50 = arith.constant 0 : i32
      %dma_start3A_51 = tpu.memref_slice %arg6[%dma_start3A_49, %dma_start3A_50] : memref<40x128xf32, #tpu.memory_space<vmem>> -> memref<8x128xf32, #tpu.memory_space<vmem>>
      %dma_start3A_52 = arith.constant 0 : i32
      %dma_start3A_53 = arith.constant 9856 : i32
      %dma_start3A_54 = tpu.memref_slice %arg2[%dma_start3A_52, %dma_start3A_48, %dma_start3A_53] : memref<8x512x32000xf32, #tpu.memory_space<hbm>> -> memref<8x1x128xf32, #tpu.memory_space<hbm>>
      %dma_start3A_55 = tpu.memref_squeeze %dma_start3A_54 : memref<8x1x128xf32, #tpu.memory_space<hbm>> -> memref<8x128xf32, #tpu.memory_space<hbm>>
      %dma_start3A_56 = arith.constant 24 : i32
      %dma_start3A_57 = arith.constant 0 : i32
      %dma_start3A_58 = tpu.memref_slice %arg6[%dma_start3A_56, %dma_start3A_57] : memref<40x128xf32, #tpu.memory_space<vmem>> -> memref<8x128xf32, #tpu.memory_space<vmem>>
      %dma_start3A_59 = arith.constant 0 : i32
      %dma_start3A_60 = arith.constant 9856 : i32
      %dma_start3A_61 = tpu.memref_slice %arg2[%dma_start3A_59, %dma_start3A_48, %dma_start3A_60] : memref<8x512x32000xf32, #tpu.memory_space<hbm>> -> memref<8x1x128xf32, #tpu.memory_space<hbm>>
      %dma_start3A_62 = tpu.memref_squeeze %dma_start3A_61 : memref<8x1x128xf32, #tpu.memory_space<hbm>> -> memref<8x128xf32, #tpu.memory_space<hbm>>
      tpu.enqueue_dma source(%dma_start3A_62 : memref<8x128xf32, #tpu.memory_space<hbm>>) target(%dma_start3A_58 : memref<8x128xf32, #tpu.memory_space<vmem>>) target_semaphore(%arg8 : memref<!tpu.dma_semaphore, #tpu.memory_space<semaphore_mem>>)
      %dma_start3A_63 = arith.constant 511 : i32
      %dma_start3A_64 = arith.constant 32 : i32
      %dma_start3A_65 = arith.constant 0 : i32
      %dma_start3A_66 = tpu.memref_slice %arg6[%dma_start3A_64, %dma_start3A_65] : memref<40x128xf32, #tpu.memory_space<vmem>> -> memref<8x128xf32, #tpu.memory_space<vmem>>
      %dma_start3A_67 = arith.constant 0 : i32
      %dma_start3A_68 = arith.constant 14976 : i32
      %dma_start3A_69 = tpu.memref_slice %arg2[%dma_start3A_67, %dma_start3A_63, %dma_start3A_68] : memref<8x512x32000xf32, #tpu.memory_space<hbm>> -> memref<8x1x128xf32, #tpu.memory_space<hbm>>
      %dma_start3A_70 = tpu.memref_squeeze %dma_start3A_69 : memref<8x1x128xf32, #tpu.memory_space<hbm>> -> memref<8x128xf32, #tpu.memory_space<hbm>>
      %dma_start3A_71 = arith.constant 32 : i32
      %dma_start3A_72 = arith.constant 0 : i32
      %dma_start3A_73 = tpu.memref_slice %arg6[%dma_start3A_71, %dma_start3A_72] : memref<40x128xf32, #tpu.memory_space<vmem>> -> memref<8x128xf32, #tpu.memory_space<vmem>>
      %dma_start3A_74 = arith.constant 0 : i32
      %dma_start3A_75 = arith.constant 14976 : i32
      %dma_start3A_76 = tpu.memref_slice %arg2[%dma_start3A_74, %dma_start3A_63, %dma_start3A_75] : memref<8x512x32000xf32, #tpu.memory_space<hbm>> -> memref<8x1x128xf32, #tpu.memory_space<hbm>>
      %dma_start3A_77 = tpu.memref_squeeze %dma_start3A_76 : memref<8x1x128xf32, #tpu.memory_space<hbm>> -> memref<8x128xf32, #tpu.memory_space<hbm>>
      tpu.enqueue_dma source(%dma_start3A_77 : memref<8x128xf32, #tpu.memory_space<hbm>>) target(%dma_start3A_73 : memref<8x128xf32, #tpu.memory_space<vmem>>) target_semaphore(%arg8 : memref<!tpu.dma_semaphore, #tpu.memory_space<semaphore_mem>>)
      %run_scoped3A = arith.constant 0 : i32
      "tpu.region"() ({
        %run_scoped3A_398 = tpu.sem_alloc : memref<!tpu.dma_semaphore, #tpu.memory_space<semaphore_mem>>
        %dma_start3A_399 = arith.constant 0 : i32
        %dma_start3A_400 = tpu.memref_slice %arg3[%run_scoped3A, %dma_start3A_399] : memref<8x512xi32, #tpu.memory_space<hbm>> -> memref<1x512xi32, #tpu.memory_space<hbm>>
        %dma_start3A_401 = tpu.memref_squeeze %dma_start3A_400 : memref<1x512xi32, #tpu.memory_space<hbm>> -> memref<512xi32, #tpu.memory_space<hbm>>
        %dma_start3A_402 = arith.constant 0 : i32
        %dma_start3A_403 = tpu.memref_slice %arg3[%run_scoped3A, %dma_start3A_402] : memref<8x512xi32, #tpu.memory_space<hbm>> -> memref<1x512xi32, #tpu.memory_space<hbm>>
        %dma_start3A_404 = tpu.memref_squeeze %dma_start3A_403 : memref<1x512xi32, #tpu.memory_space<hbm>> -> memref<512xi32, #tpu.memory_space<hbm>>
        tpu.enqueue_dma source(%dma_start3A_404 : memref<512xi32, #tpu.memory_space<hbm>>) target(%arg5 : memref<512xi32, #tpu.memory_space<vmem>>) target_semaphore(%run_scoped3A_398 : memref<!tpu.dma_semaphore, #tpu.memory_space<semaphore_mem>>)
        %dma_wait3A_405 = arith.constant 0 : i32
        %dma_wait3A_406 = tpu.memref_slice %arg3[%run_scoped3A, %dma_wait3A_405] : memref<8x512xi32, #tpu.memory_space<hbm>> -> memref<1x512xi32, #tpu.memory_space<hbm>>
        %dma_wait3A_407 = tpu.memref_squeeze %dma_wait3A_406 : memref<1x512xi32, #tpu.memory_space<hbm>> -> memref<512xi32, #tpu.memory_space<hbm>>
        %dma_wait3A_408 = arith.constant 0 : i32
        %dma_wait3A_409 = tpu.memref_slice %arg3[%run_scoped3A, %dma_wait3A_408] : memref<8x512xi32, #tpu.memory_space<hbm>> -> memref<1x512xi32, #tpu.memory_space<hbm>>
        %dma_wait3A_410 = tpu.memref_squeeze %dma_wait3A_409 : memref<1x512xi32, #tpu.memory_space<hbm>> -> memref<512xi32, #tpu.memory_space<hbm>>
        tpu.wait_dma2 semaphore(%run_scoped3A_398 : memref<!tpu.dma_semaphore, #tpu.memory_space<semaphore_mem>>) src(%dma_wait3A_410 : memref<512xi32, #tpu.memory_space<hbm>>) dst(%arg5 : memref<512xi32, #tpu.memory_space<vmem>>)
        tpu.yield
      }) : () -> ()
      %get3A = arith.constant 0 : index
      %get3A_78 = tpu.vector_load %arg5[%get3A] {strides = array<i32>} : memref<512xi32, #tpu.memory_space<vmem>>, vector<16xi32>,
      %get3A_79 = arith.constant 16 : index
      %get3A_80 = tpu.vector_load %arg5[%get3A_79] {strides = array<i32>} : memref<512xi32, #tpu.memory_space<vmem>>, vector<16xi32>,
      %add3A = arith.addi %get3A_78, %get3A_80 : vector<16xi32>
      %get3A_81 = arith.constant 32 : index
      %get3A_82 = tpu.vector_load %arg5[%get3A_81] {strides = array<i32>} : memref<512xi32, #tpu.memory_space<vmem>>, vector<16xi32>,
      %add3A_83 = arith.addi %add3A, %get3A_82 : vector<16xi32>
      %get3A_84 = arith.constant 48 : index
      %get3A_85 = tpu.vector_load %arg5[%get3A_84] {strides = array<i32>} : memref<512xi32, #tpu.memory_space<vmem>>, vector<16xi32>,
      %add3A_86 = arith.addi %add3A_83, %get3A_85 : vector<16xi32>
      %get3A_87 = arith.constant 64 : index
      %get3A_88 = tpu.vector_load %arg5[%get3A_87] {strides = array<i32>} : memref<512xi32, #tpu.memory_space<vmem>>, vector<16xi32>,
      %add3A_89 = arith.addi %add3A_86, %get3A_88 : vector<16xi32>
      %get3A_90 = arith.constant 80 : index
      %get3A_91 = tpu.vector_load %arg5[%get3A_90] {strides = array<i32>} : memref<512xi32, #tpu.memory_space<vmem>>, vector<16xi32>,
      %add3A_92 = arith.addi %add3A_89, %get3A_91 : vector<16xi32>
      %get3A_93 = arith.constant 96 : index
      %get3A_94 = tpu.vector_load %arg5[%get3A_93] {strides = array<i32>} : memref<512xi32, #tpu.memory_space<vmem>>, vector<16xi32>,
      %add3A_95 = arith.addi %add3A_92, %get3A_94 : vector<16xi32>
      %get3A_96 = arith.constant 112 : index
      %get3A_97 = tpu.vector_load %arg5[%get3A_96] {strides = array<i32>} : memref<512xi32, #tpu.memory_space<vmem>>, vector<16xi32>,
      %add3A_98 = arith.addi %add3A_95, %get3A_97 : vector<16xi32>
      %get3A_99 = arith.constant 128 : index
      %get3A_100 = tpu.vector_load %arg5[%get3A_99] {strides = array<i32>} : memref<512xi32, #tpu.memory_space<vmem>>, vector<16xi32>,
      %add3A_101 = arith.addi %add3A_98, %get3A_100 : vector<16xi32>
      %get3A_102 = arith.constant 144 : index
      %get3A_103 = tpu.vector_load %arg5[%get3A_102] {strides = array<i32>} : memref<512xi32, #tpu.memory_space<vmem>>, vector<16xi32>,
      %add3A_104 = arith.addi %add3A_101, %get3A_103 : vector<16xi32>
      %get3A_105 = arith.constant 160 : index
      %get3A_106 = tpu.vector_load %arg5[%get3A_105] {strides = array<i32>} : memref<512xi32, #tpu.memory_space<vmem>>, vector<16xi32>,
      %add3A_107 = arith.addi %add3A_104, %get3A_106 : vector<16xi32>
      %get3A_108 = arith.constant 176 : index
      %get3A_109 = tpu.vector_load %arg5[%get3A_108] {strides = array<i32>} : memref<512xi32, #tpu.memory_space<vmem>>, vector<16xi32>,
      %add3A_110 = arith.addi %add3A_107, %get3A_109 : vector<16xi32>
      %get3A_111 = arith.constant 192 : index
      %get3A_112 = tpu.vector_load %arg5[%get3A_111] {strides = array<i32>} : memref<512xi32, #tpu.memory_space<vmem>>, vector<16xi32>,
      %add3A_113 = arith.addi %add3A_110, %get3A_112 : vector<16xi32>
      %get3A_114 = arith.constant 208 : index
      %get3A_115 = tpu.vector_load %arg5[%get3A_114] {strides = array<i32>} : memref<512xi32, #tpu.memory_space<vmem>>, vector<16xi32>,
      %add3A_116 = arith.addi %add3A_113, %get3A_115 : vector<16xi32>
      %get3A_117 = arith.constant 224 : index
      %get3A_118 = tpu.vector_load %arg5[%get3A_117] {strides = array<i32>} : memref<512xi32, #tpu.memory_space<vmem>>, vector<16xi32>,
      %add3A_119 = arith.addi %add3A_116, %get3A_118 : vector<16xi32>
      %get3A_120 = arith.constant 240 : index
      %get3A_121 = tpu.vector_load %arg5[%get3A_120] {strides = array<i32>} : memref<512xi32, #tpu.memory_space<vmem>>, vector<16xi32>,
      %add3A_122 = arith.addi %add3A_119, %get3A_121 : vector<16xi32>
      %get3A_123 = arith.constant 256 : index
      %get3A_124 = tpu.vector_load %arg5[%get3A_123] {strides = array<i32>} : memref<512xi32, #tpu.memory_space<vmem>>, vector<16xi32>,
      %add3A_125 = arith.addi %add3A_122, %get3A_124 : vector<16xi32>
      %get3A_126 = arith.constant 272 : index
      %get3A_127 = tpu.vector_load %arg5[%get3A_126] {strides = array<i32>} : memref<512xi32, #tpu.memory_space<vmem>>, vector<16xi32>,
      %add3A_128 = arith.addi %add3A_125, %get3A_127 : vector<16xi32>
      %get3A_129 = arith.constant 288 : index
      %get3A_130 = tpu.vector_load %arg5[%get3A_129] {strides = array<i32>} : memref<512xi32, #tpu.memory_space<vmem>>, vector<16xi32>,
      %add3A_131 = arith.addi %add3A_128, %get3A_130 : vector<16xi32>
      %get3A_132 = arith.constant 304 : index
      %get3A_133 = tpu.vector_load %arg5[%get3A_132] {strides = array<i32>} : memref<512xi32, #tpu.memory_space<vmem>>, vector<16xi32>,
      %add3A_134 = arith.addi %add3A_131, %get3A_133 : vector<16xi32>
      %get3A_135 = arith.constant 320 : index
      %get3A_136 = tpu.vector_load %arg5[%get3A_135] {strides = array<i32>} : memref<512xi32, #tpu.memory_space<vmem>>, vector<16xi32>,
      %add3A_137 = arith.addi %add3A_134, %get3A_136 : vector<16xi32>
      %get3A_138 = arith.constant 336 : index
      %get3A_139 = tpu.vector_load %arg5[%get3A_138] {strides = array<i32>} : memref<512xi32, #tpu.memory_space<vmem>>, vector<16xi32>,
      %add3A_140 = arith.addi %add3A_137, %get3A_139 : vector<16xi32>
      %get3A_141 = arith.constant 352 : index
      %get3A_142 = tpu.vector_load %arg5[%get3A_141] {strides = array<i32>} : memref<512xi32, #tpu.memory_space<vmem>>, vector<16xi32>,
      %add3A_143 = arith.addi %add3A_140, %get3A_142 : vector<16xi32>
      %get3A_144 = arith.constant 368 : index
      %get3A_145 = tpu.vector_load %arg5[%get3A_144] {strides = array<i32>} : memref<512xi32, #tpu.memory_space<vmem>>, vector<16xi32>,
      %add3A_146 = arith.addi %add3A_143, %get3A_145 : vector<16xi32>
      %get3A_147 = arith.constant 384 : index
      %get3A_148 = tpu.vector_load %arg5[%get3A_147] {strides = array<i32>} : memref<512xi32, #tpu.memory_space<vmem>>, vector<16xi32>,
      %add3A_149 = arith.addi %add3A_146, %get3A_148 : vector<16xi32>
      %get3A_150 = arith.constant 400 : index
      %get3A_151 = tpu.vector_load %arg5[%get3A_150] {strides = array<i32>} : memref<512xi32, #tpu.memory_space<vmem>>, vector<16xi32>,
      %add3A_152 = arith.addi %add3A_149, %get3A_151 : vector<16xi32>
      %get3A_153 = arith.constant 416 : index
      %get3A_154 = tpu.vector_load %arg5[%get3A_153] {strides = array<i32>} : memref<512xi32, #tpu.memory_space<vmem>>, vector<16xi32>,
      %add3A_155 = arith.addi %add3A_152, %get3A_154 : vector<16xi32>
      %get3A_156 = arith.constant 432 : index
      %get3A_157 = tpu.vector_load %arg5[%get3A_156] {strides = array<i32>} : memref<512xi32, #tpu.memory_space<vmem>>, vector<16xi32>,
      %add3A_158 = arith.addi %add3A_155, %get3A_157 : vector<16xi32>
      %get3A_159 = arith.constant 448 : index
      %get3A_160 = tpu.vector_load %arg5[%get3A_159] {strides = array<i32>} : memref<512xi32, #tpu.memory_space<vmem>>, vector<16xi32>,
      %add3A_161 = arith.addi %add3A_158, %get3A_160 : vector<16xi32>
      %get3A_162 = arith.constant 464 : index
      %get3A_163 = tpu.vector_load %arg5[%get3A_162] {strides = array<i32>} : memref<512xi32, #tpu.memory_space<vmem>>, vector<16xi32>,
      %add3A_164 = arith.addi %add3A_161, %get3A_163 : vector<16xi32>
      %get3A_165 = arith.constant 480 : index
      %get3A_166 = tpu.vector_load %arg5[%get3A_165] {strides = array<i32>} : memref<512xi32, #tpu.memory_space<vmem>>, vector<16xi32>,
      %add3A_167 = arith.addi %add3A_164, %get3A_166 : vector<16xi32>
      %get3A_168 = arith.constant 496 : index
      %get3A_169 = tpu.vector_load %arg5[%get3A_168] {strides = array<i32>} : memref<512xi32, #tpu.memory_space<vmem>>, vector<16xi32>,
      %add3A_170 = arith.addi %add3A_167, %get3A_169 : vector<16xi32>
      %slice3A = vector.extract_strided_slice %add3A_170 {offsets = [0], sizes = [1], strides = [1]} : vector<16xi32> to vector<1xi32>
      %squeeze3A = vector.extract %slice3A[0] : i32 from vector<1xi32>
      %slice3A_171 = vector.extract_strided_slice %add3A_170 {offsets = [1], sizes = [1], strides = [1]} : vector<16xi32> to vector<1xi32>
      %squeeze3A_172 = vector.extract %slice3A_171[0] : i32 from vector<1xi32>
      %add3A_173 = arith.addi %squeeze3A, %squeeze3A_172 : i32
      %slice3A_174 = vector.extract_strided_slice %add3A_170 {offsets = [2], sizes = [1], strides = [1]} : vector<16xi32> to vector<1xi32>
      %squeeze3A_175 = vector.extract %slice3A_174[0] : i32 from vector<1xi32>
      %add3A_176 = arith.addi %add3A_173, %squeeze3A_175 : i32
      %slice3A_177 = vector.extract_strided_slice %add3A_170 {offsets = [3], sizes = [1], strides = [1]} : vector<16xi32> to vector<1xi32>
      %squeeze3A_178 = vector.extract %slice3A_177[0] : i32 from vector<1xi32>
      %add3A_179 = arith.addi %add3A_176, %squeeze3A_178 : i32
      %slice3A_180 = vector.extract_strided_slice %add3A_170 {offsets = [4], sizes = [1], strides = [1]} : vector<16xi32> to vector<1xi32>
      %squeeze3A_181 = vector.extract %slice3A_180[0] : i32 from vector<1xi32>
      %add3A_182 = arith.addi %add3A_179, %squeeze3A_181 : i32
      %slice3A_183 = vector.extract_strided_slice %add3A_170 {offsets = [5], sizes = [1], strides = [1]} : vector<16xi32> to vector<1xi32>
      %squeeze3A_184 = vector.extract %slice3A_183[0] : i32 from vector<1xi32>
      %add3A_185 = arith.addi %add3A_182, %squeeze3A_184 : i32
      %slice3A_186 = vector.extract_strided_slice %add3A_170 {offsets = [6], sizes = [1], strides = [1]} : vector<16xi32> to vector<1xi32>
      %squeeze3A_187 = vector.extract %slice3A_186[0] : i32 from vector<1xi32>
      %add3A_188 = arith.addi %add3A_185, %squeeze3A_187 : i32
      %slice3A_189 = vector.extract_strided_slice %add3A_170 {offsets = [7], sizes = [1], strides = [1]} : vector<16xi32> to vector<1xi32>
      %squeeze3A_190 = vector.extract %slice3A_189[0] : i32 from vector<1xi32>
      %add3A_191 = arith.addi %add3A_188, %squeeze3A_190 : i32
      %slice3A_192 = vector.extract_strided_slice %add3A_170 {offsets = [8], sizes = [1], strides = [1]} : vector<16xi32> to vector<1xi32>
      %squeeze3A_193 = vector.extract %slice3A_192[0] : i32 from vector<1xi32>
      %add3A_194 = arith.addi %add3A_191, %squeeze3A_193 : i32
      %slice3A_195 = vector.extract_strided_slice %add3A_170 {offsets = [9], sizes = [1], strides = [1]} : vector<16xi32> to vector<1xi32>
      %squeeze3A_196 = vector.extract %slice3A_195[0] : i32 from vector<1xi32>
      %add3A_197 = arith.addi %add3A_194, %squeeze3A_196 : i32
      %slice3A_198 = vector.extract_strided_slice %add3A_170 {offsets = [10], sizes = [1], strides = [1]} : vector<16xi32> to vector<1xi32>
      %squeeze3A_199 = vector.extract %slice3A_198[0] : i32 from vector<1xi32>
      %add3A_200 = arith.addi %add3A_197, %squeeze3A_199 : i32
      %slice3A_201 = vector.extract_strided_slice %add3A_170 {offsets = [11], sizes = [1], strides = [1]} : vector<16xi32> to vector<1xi32>
      %squeeze3A_202 = vector.extract %slice3A_201[0] : i32 from vector<1xi32>
      %add3A_203 = arith.addi %add3A_200, %squeeze3A_202 : i32
      %slice3A_204 = vector.extract_strided_slice %add3A_170 {offsets = [12], sizes = [1], strides = [1]} : vector<16xi32> to vector<1xi32>
      %squeeze3A_205 = vector.extract %slice3A_204[0] : i32 from vector<1xi32>
      %add3A_206 = arith.addi %add3A_203, %squeeze3A_205 : i32
      %slice3A_207 = vector.extract_strided_slice %add3A_170 {offsets = [13], sizes = [1], strides = [1]} : vector<16xi32> to vector<1xi32>
      %squeeze3A_208 = vector.extract %slice3A_207[0] : i32 from vector<1xi32>
      %add3A_209 = arith.addi %add3A_206, %squeeze3A_208 : i32
      %slice3A_210 = vector.extract_strided_slice %add3A_170 {offsets = [14], sizes = [1], strides = [1]} : vector<16xi32> to vector<1xi32>
      %squeeze3A_211 = vector.extract %slice3A_210[0] : i32 from vector<1xi32>
      %add3A_212 = arith.addi %add3A_209, %squeeze3A_211 : i32
      %slice3A_213 = vector.extract_strided_slice %add3A_170 {offsets = [15], sizes = [1], strides = [1]} : vector<16xi32> to vector<1xi32>
      %squeeze3A_214 = vector.extract %slice3A_213[0] : i32 from vector<1xi32>
      %add3A_215 = arith.addi %add3A_212, %squeeze3A_214 : i32
      %sub3A = arith.constant 1 : i32
      %sub3A_216 = arith.subi %add3A_215, %sub3A : i32
      %dma_wait3A = arith.constant 511 : i32
      %dma_wait3A_217 = arith.constant 0 : i32
      %dma_wait3A_218 = arith.constant 0 : i32
      %dma_wait3A_219 = tpu.memref_slice %arg6[%dma_wait3A_217, %dma_wait3A_218] : memref<40x128xf32, #tpu.memory_space<vmem>> -> memref<8x128xf32, #tpu.memory_space<vmem>>
      %dma_wait3A_220 = arith.constant 0 : i32
      %dma_wait3A_221 = arith.constant 256 : i32
      %dma_wait3A_222 = tpu.memref_slice %arg2[%dma_wait3A_220, %dma_wait3A, %dma_wait3A_221] : memref<8x512x32000xf32, #tpu.memory_space<hbm>> -> memref<8x1x128xf32, #tpu.memory_space<hbm>>
      %dma_wait3A_223 = tpu.memref_squeeze %dma_wait3A_222 : memref<8x1x128xf32, #tpu.memory_space<hbm>> -> memref<8x128xf32, #tpu.memory_space<hbm>>
      %dma_wait3A_224 = arith.constant 0 : i32
      %dma_wait3A_225 = arith.constant 0 : i32
      %dma_wait3A_226 = tpu.memref_slice %arg6[%dma_wait3A_224, %dma_wait3A_225] : memref<40x128xf32, #tpu.memory_space<vmem>> -> memref<8x128xf32, #tpu.memory_space<vmem>>
      %dma_wait3A_227 = arith.constant 0 : i32
      %dma_wait3A_228 = arith.constant 256 : i32
      %dma_wait3A_229 = tpu.memref_slice %arg2[%dma_wait3A_227, %dma_wait3A, %dma_wait3A_228] : memref<8x512x32000xf32, #tpu.memory_space<hbm>> -> memref<8x1x128xf32, #tpu.memory_space<hbm>>
      %dma_wait3A_230 = tpu.memref_squeeze %dma_wait3A_229 : memref<8x1x128xf32, #tpu.memory_space<hbm>> -> memref<8x128xf32, #tpu.memory_space<hbm>>
      tpu.wait_dma2 semaphore(%arg8 : memref<!tpu.dma_semaphore, #tpu.memory_space<semaphore_mem>>) src(%dma_wait3A_230 : memref<8x128xf32, #tpu.memory_space<hbm>>) dst(%dma_wait3A_226 : memref<8x128xf32, #tpu.memory_space<vmem>>)
      %dma_wait3A_231 = arith.constant 511 : i32
      %dma_wait3A_232 = arith.constant 8 : i32
      %dma_wait3A_233 = arith.constant 0 : i32
      %dma_wait3A_234 = tpu.memref_slice %arg6[%dma_wait3A_232, %dma_wait3A_233] : memref<40x128xf32, #tpu.memory_space<vmem>> -> memref<8x128xf32, #tpu.memory_space<vmem>>
      %dma_wait3A_235 = arith.constant 0 : i32
      %dma_wait3A_236 = arith.constant 1024 : i32
      %dma_wait3A_237 = tpu.memref_slice %arg2[%dma_wait3A_235, %dma_wait3A_231, %dma_wait3A_236] : memref<8x512x32000xf32, #tpu.memory_space<hbm>> -> memref<8x1x128xf32, #tpu.memory_space<hbm>>
      %dma_wait3A_238 = tpu.memref_squeeze %dma_wait3A_237 : memref<8x1x128xf32, #tpu.memory_space<hbm>> -> memref<8x128xf32, #tpu.memory_space<hbm>>
      %dma_wait3A_239 = arith.constant 8 : i32
      %dma_wait3A_240 = arith.constant 0 : i32
      %dma_wait3A_241 = tpu.memref_slice %arg6[%dma_wait3A_239, %dma_wait3A_240] : memref<40x128xf32, #tpu.memory_space<vmem>> -> memref<8x128xf32, #tpu.memory_space<vmem>>
      %dma_wait3A_242 = arith.constant 0 : i32
      %dma_wait3A_243 = arith.constant 1024 : i32
      %dma_wait3A_244 = tpu.memref_slice %arg2[%dma_wait3A_242, %dma_wait3A_231, %dma_wait3A_243] : memref<8x512x32000xf32, #tpu.memory_space<hbm>> -> memref<8x1x128xf32, #tpu.memory_space<hbm>>
      %dma_wait3A_245 = tpu.memref_squeeze %dma_wait3A_244 : memref<8x1x128xf32, #tpu.memory_space<hbm>> -> memref<8x128xf32, #tpu.memory_space<hbm>>
      tpu.wait_dma2 semaphore(%arg8 : memref<!tpu.dma_semaphore, #tpu.memory_space<semaphore_mem>>) src(%dma_wait3A_245 : memref<8x128xf32, #tpu.memory_space<hbm>>) dst(%dma_wait3A_241 : memref<8x128xf32, #tpu.memory_space<vmem>>)
      %dma_wait3A_246 = arith.constant 511 : i32
      %dma_wait3A_247 = arith.constant 16 : i32
      %dma_wait3A_248 = arith.constant 0 : i32
      %dma_wait3A_249 = tpu.memref_slice %arg6[%dma_wait3A_247, %dma_wait3A_248] : memref<40x128xf32, #tpu.memory_space<vmem>> -> memref<8x128xf32, #tpu.memory_space<vmem>>
      %dma_wait3A_250 = arith.constant 0 : i32
      %dma_wait3A_251 = arith.constant 4480 : i32
      %dma_wait3A_252 = tpu.memref_slice %arg2[%dma_wait3A_250, %dma_wait3A_246, %dma_wait3A_251] : memref<8x512x32000xf32, #tpu.memory_space<hbm>> -> memref<8x1x128xf32, #tpu.memory_space<hbm>>
      %dma_wait3A_253 = tpu.memref_squeeze %dma_wait3A_252 : memref<8x1x128xf32, #tpu.memory_space<hbm>> -> memref<8x128xf32, #tpu.memory_space<hbm>>
      %dma_wait3A_254 = arith.constant 16 : i32
      %dma_wait3A_255 = arith.constant 0 : i32
      %dma_wait3A_256 = tpu.memref_slice %arg6[%dma_wait3A_254, %dma_wait3A_255] : memref<40x128xf32, #tpu.memory_space<vmem>> -> memref<8x128xf32, #tpu.memory_space<vmem>>
      %dma_wait3A_257 = arith.constant 0 : i32
      %dma_wait3A_258 = arith.constant 4480 : i32
      %dma_wait3A_259 = tpu.memref_slice %arg2[%dma_wait3A_257, %dma_wait3A_246, %dma_wait3A_258] : memref<8x512x32000xf32, #tpu.memory_space<hbm>> -> memref<8x1x128xf32, #tpu.memory_space<hbm>>
      %dma_wait3A_260 = tpu.memref_squeeze %dma_wait3A_259 : memref<8x1x128xf32, #tpu.memory_space<hbm>> -> memref<8x128xf32, #tpu.memory_space<hbm>>
      tpu.wait_dma2 semaphore(%arg8 : memref<!tpu.dma_semaphore, #tpu.memory_space<semaphore_mem>>) src(%dma_wait3A_260 : memref<8x128xf32, #tpu.memory_space<hbm>>) dst(%dma_wait3A_256 : memref<8x128xf32, #tpu.memory_space<vmem>>)
      %dma_wait3A_261 = arith.constant 511 : i32
      %dma_wait3A_262 = arith.constant 24 : i32
      %dma_wait3A_263 = arith.constant 0 : i32
      %dma_wait3A_264 = tpu.memref_slice %arg6[%dma_wait3A_262, %dma_wait3A_263] : memref<40x128xf32, #tpu.memory_space<vmem>> -> memref<8x128xf32, #tpu.memory_space<vmem>>
      %dma_wait3A_265 = arith.constant 0 : i32
      %dma_wait3A_266 = arith.constant 9856 : i32
      %dma_wait3A_267 = tpu.memref_slice %arg2[%dma_wait3A_265, %dma_wait3A_261, %dma_wait3A_266] : memref<8x512x32000xf32, #tpu.memory_space<hbm>> -> memref<8x1x128xf32, #tpu.memory_space<hbm>>
      %dma_wait3A_268 = tpu.memref_squeeze %dma_wait3A_267 : memref<8x1x128xf32, #tpu.memory_space<hbm>> -> memref<8x128xf32, #tpu.memory_space<hbm>>
      %dma_wait3A_269 = arith.constant 24 : i32
      %dma_wait3A_270 = arith.constant 0 : i32
      %dma_wait3A_271 = tpu.memref_slice %arg6[%dma_wait3A_269, %dma_wait3A_270] : memref<40x128xf32, #tpu.memory_space<vmem>> -> memref<8x128xf32, #tpu.memory_space<vmem>>
      %dma_wait3A_272 = arith.constant 0 : i32
      %dma_wait3A_273 = arith.constant 9856 : i32
      %dma_wait3A_274 = tpu.memref_slice %arg2[%dma_wait3A_272, %dma_wait3A_261, %dma_wait3A_273] : memref<8x512x32000xf32, #tpu.memory_space<hbm>> -> memref<8x1x128xf32, #tpu.memory_space<hbm>>
      %dma_wait3A_275 = tpu.memref_squeeze %dma_wait3A_274 : memref<8x1x128xf32, #tpu.memory_space<hbm>> -> memref<8x128xf32, #tpu.memory_space<hbm>>
      tpu.wait_dma2 semaphore(%arg8 : memref<!tpu.dma_semaphore, #tpu.memory_space<semaphore_mem>>) src(%dma_wait3A_275 : memref<8x128xf32, #tpu.memory_space<hbm>>) dst(%dma_wait3A_271 : memref<8x128xf32, #tpu.memory_space<vmem>>)
      %dma_wait3A_276 = arith.constant 511 : i32
      %dma_wait3A_277 = arith.constant 32 : i32
      %dma_wait3A_278 = arith.constant 0 : i32
      %dma_wait3A_279 = tpu.memref_slice %arg6[%dma_wait3A_277, %dma_wait3A_278] : memref<40x128xf32, #tpu.memory_space<vmem>> -> memref<8x128xf32, #tpu.memory_space<vmem>>
      %dma_wait3A_280 = arith.constant 0 : i32
      %dma_wait3A_281 = arith.constant 14976 : i32
      %dma_wait3A_282 = tpu.memref_slice %arg2[%dma_wait3A_280, %dma_wait3A_276, %dma_wait3A_281] : memref<8x512x32000xf32, #tpu.memory_space<hbm>> -> memref<8x1x128xf32, #tpu.memory_space<hbm>>
      %dma_wait3A_283 = tpu.memref_squeeze %dma_wait3A_282 : memref<8x1x128xf32, #tpu.memory_space<hbm>> -> memref<8x128xf32, #tpu.memory_space<hbm>>
      %dma_wait3A_284 = arith.constant 32 : i32
      %dma_wait3A_285 = arith.constant 0 : i32
      %dma_wait3A_286 = tpu.memref_slice %arg6[%dma_wait3A_284, %dma_wait3A_285] : memref<40x128xf32, #tpu.memory_space<vmem>> -> memref<8x128xf32, #tpu.memory_space<vmem>>
      %dma_wait3A_287 = arith.constant 0 : i32
      %dma_wait3A_288 = arith.constant 14976 : i32
      %dma_wait3A_289 = tpu.memref_slice %arg2[%dma_wait3A_287, %dma_wait3A_276, %dma_wait3A_288] : memref<8x512x32000xf32, #tpu.memory_space<hbm>> -> memref<8x1x128xf32, #tpu.memory_space<hbm>>
      %dma_wait3A_290 = tpu.memref_squeeze %dma_wait3A_289 : memref<8x1x128xf32, #tpu.memory_space<hbm>> -> memref<8x128xf32, #tpu.memory_space<hbm>>
      tpu.wait_dma2 semaphore(%arg8 : memref<!tpu.dma_semaphore, #tpu.memory_space<semaphore_mem>>) src(%dma_wait3A_290 : memref<8x128xf32, #tpu.memory_space<hbm>>) dst(%dma_wait3A_286 : memref<8x128xf32, #tpu.memory_space<vmem>>)
      %ne3A = arith.constant 511 : i32
      %ne3A_291 = arith.cmpi ne, %sub3A_216, %ne3A : i32
      %convert_element_type3A_292 = arith.extui %ne3A_291 : i1 to i32
      %cond3A_293 = arith.constant 0 : i32
      %cond3A_294 = arith.cmpi ne, %convert_element_type3A_292, %cond3A_293 : i32
      scf.if %cond3A_294 {
        %dma_start3A_398 = arith.constant 0 : i32
        %dma_start3A_399 = arith.constant 0 : i32
        %dma_start3A_400 = tpu.memref_slice %arg6[%dma_start3A_398, %dma_start3A_399] : memref<40x128xf32, #tpu.memory_space<vmem>> -> memref<8x128xf32, #tpu.memory_space<vmem>>
        %dma_start3A_401 = arith.constant 0 : i32
        %dma_start3A_402 = arith.constant 256 : i32
        %dma_start3A_403 = tpu.memref_slice %arg2[%dma_start3A_401, %sub3A_216, %dma_start3A_402] : memref<8x512x32000xf32, #tpu.memory_space<hbm>> -> memref<8x1x128xf32, #tpu.memory_space<hbm>>
        %dma_start3A_404 = tpu.memref_squeeze %dma_start3A_403 : memref<8x1x128xf32, #tpu.memory_space<hbm>> -> memref<8x128xf32, #tpu.memory_space<hbm>>
        %dma_start3A_405 = arith.constant 0 : i32
        %dma_start3A_406 = arith.constant 0 : i32
        %dma_start3A_407 = tpu.memref_slice %arg6[%dma_start3A_405, %dma_start3A_406] : memref<40x128xf32, #tpu.memory_space<vmem>> -> memref<8x128xf32, #tpu.memory_space<vmem>>
        %dma_start3A_408 = arith.constant 0 : i32
        %dma_start3A_409 = arith.constant 256 : i32
        %dma_start3A_410 = tpu.memref_slice %arg2[%dma_start3A_408, %sub3A_216, %dma_start3A_409] : memref<8x512x32000xf32, #tpu.memory_space<hbm>> -> memref<8x1x128xf32, #tpu.memory_space<hbm>>
        %dma_start3A_411 = tpu.memref_squeeze %dma_start3A_410 : memref<8x1x128xf32, #tpu.memory_space<hbm>> -> memref<8x128xf32, #tpu.memory_space<hbm>>
        tpu.enqueue_dma source(%dma_start3A_411 : memref<8x128xf32, #tpu.memory_space<hbm>>) target(%dma_start3A_407 : memref<8x128xf32, #tpu.memory_space<vmem>>) target_semaphore(%arg8 : memref<!tpu.dma_semaphore, #tpu.memory_space<semaphore_mem>>)
        %dma_start3A_412 = arith.constant 8 : i32
        %dma_start3A_413 = arith.constant 0 : i32
        %dma_start3A_414 = tpu.memref_slice %arg6[%dma_start3A_412, %dma_start3A_413] : memref<40x128xf32, #tpu.memory_space<vmem>> -> memref<8x128xf32, #tpu.memory_space<vmem>>
        %dma_start3A_415 = arith.constant 0 : i32
        %dma_start3A_416 = arith.constant 1024 : i32
        %dma_start3A_417 = tpu.memref_slice %arg2[%dma_start3A_415, %sub3A_216, %dma_start3A_416] : memref<8x512x32000xf32, #tpu.memory_space<hbm>> -> memref<8x1x128xf32, #tpu.memory_space<hbm>>
        %dma_start3A_418 = tpu.memref_squeeze %dma_start3A_417 : memref<8x1x128xf32, #tpu.memory_space<hbm>> -> memref<8x128xf32, #tpu.memory_space<hbm>>
        %dma_start3A_419 = arith.constant 8 : i32
        %dma_start3A_420 = arith.constant 0 : i32
        %dma_start3A_421 = tpu.memref_slice %arg6[%dma_start3A_419, %dma_start3A_420] : memref<40x128xf32, #tpu.memory_space<vmem>> -> memref<8x128xf32, #tpu.memory_space<vmem>>
        %dma_start3A_422 = arith.constant 0 : i32
        %dma_start3A_423 = arith.constant 1024 : i32
        %dma_start3A_424 = tpu.memref_slice %arg2[%dma_start3A_422, %sub3A_216, %dma_start3A_423] : memref<8x512x32000xf32, #tpu.memory_space<hbm>> -> memref<8x1x128xf32, #tpu.memory_space<hbm>>
        %dma_start3A_425 = tpu.memref_squeeze %dma_start3A_424 : memref<8x1x128xf32, #tpu.memory_space<hbm>> -> memref<8x128xf32, #tpu.memory_space<hbm>>
        tpu.enqueue_dma source(%dma_start3A_425 : memref<8x128xf32, #tpu.memory_space<hbm>>) target(%dma_start3A_421 : memref<8x128xf32, #tpu.memory_space<vmem>>) target_semaphore(%arg8 : memref<!tpu.dma_semaphore, #tpu.memory_space<semaphore_mem>>)
        %dma_start3A_426 = arith.constant 16 : i32
        %dma_start3A_427 = arith.constant 0 : i32
        %dma_start3A_428 = tpu.memref_slice %arg6[%dma_start3A_426, %dma_start3A_427] : memref<40x128xf32, #tpu.memory_space<vmem>> -> memref<8x128xf32, #tpu.memory_space<vmem>>
        %dma_start3A_429 = arith.constant 0 : i32
        %dma_start3A_430 = arith.constant 4480 : i32
        %dma_start3A_431 = tpu.memref_slice %arg2[%dma_start3A_429, %sub3A_216, %dma_start3A_430] : memref<8x512x32000xf32, #tpu.memory_space<hbm>> -> memref<8x1x128xf32, #tpu.memory_space<hbm>>
        %dma_start3A_432 = tpu.memref_squeeze %dma_start3A_431 : memref<8x1x128xf32, #tpu.memory_space<hbm>> -> memref<8x128xf32, #tpu.memory_space<hbm>>
        %dma_start3A_433 = arith.constant 16 : i32
        %dma_start3A_434 = arith.constant 0 : i32
        %dma_start3A_435 = tpu.memref_slice %arg6[%dma_start3A_433, %dma_start3A_434] : memref<40x128xf32, #tpu.memory_space<vmem>> -> memref<8x128xf32, #tpu.memory_space<vmem>>
        %dma_start3A_436 = arith.constant 0 : i32
        %dma_start3A_437 = arith.constant 4480 : i32
        %dma_start3A_438 = tpu.memref_slice %arg2[%dma_start3A_436, %sub3A_216, %dma_start3A_437] : memref<8x512x32000xf32, #tpu.memory_space<hbm>> -> memref<8x1x128xf32, #tpu.memory_space<hbm>>
        %dma_start3A_439 = tpu.memref_squeeze %dma_start3A_438 : memref<8x1x128xf32, #tpu.memory_space<hbm>> -> memref<8x128xf32, #tpu.memory_space<hbm>>
        tpu.enqueue_dma source(%dma_start3A_439 : memref<8x128xf32, #tpu.memory_space<hbm>>) target(%dma_start3A_435 : memref<8x128xf32, #tpu.memory_space<vmem>>) target_semaphore(%arg8 : memref<!tpu.dma_semaphore, #tpu.memory_space<semaphore_mem>>)
        %dma_start3A_440 = arith.constant 24 : i32
        %dma_start3A_441 = arith.constant 0 : i32
        %dma_start3A_442 = tpu.memref_slice %arg6[%dma_start3A_440, %dma_start3A_441] : memref<40x128xf32, #tpu.memory_space<vmem>> -> memref<8x128xf32, #tpu.memory_space<vmem>>
        %dma_start3A_443 = arith.constant 0 : i32
        %dma_start3A_444 = arith.constant 9856 : i32
        %dma_start3A_445 = tpu.memref_slice %arg2[%dma_start3A_443, %sub3A_216, %dma_start3A_444] : memref<8x512x32000xf32, #tpu.memory_space<hbm>> -> memref<8x1x128xf32, #tpu.memory_space<hbm>>
        %dma_start3A_446 = tpu.memref_squeeze %dma_start3A_445 : memref<8x1x128xf32, #tpu.memory_space<hbm>> -> memref<8x128xf32, #tpu.memory_space<hbm>>
        %dma_start3A_447 = arith.constant 24 : i32
        %dma_start3A_448 = arith.constant 0 : i32
        %dma_start3A_449 = tpu.memref_slice %arg6[%dma_start3A_447, %dma_start3A_448] : memref<40x128xf32, #tpu.memory_space<vmem>> -> memref<8x128xf32, #tpu.memory_space<vmem>>
        %dma_start3A_450 = arith.constant 0 : i32
        %dma_start3A_451 = arith.constant 9856 : i32
        %dma_start3A_452 = tpu.memref_slice %arg2[%dma_start3A_450, %sub3A_216, %dma_start3A_451] : memref<8x512x32000xf32, #tpu.memory_space<hbm>> -> memref<8x1x128xf32, #tpu.memory_space<hbm>>
        %dma_start3A_453 = tpu.memref_squeeze %dma_start3A_452 : memref<8x1x128xf32, #tpu.memory_space<hbm>> -> memref<8x128xf32, #tpu.memory_space<hbm>>
        tpu.enqueue_dma source(%dma_start3A_453 : memref<8x128xf32, #tpu.memory_space<hbm>>) target(%dma_start3A_449 : memref<8x128xf32, #tpu.memory_space<vmem>>) target_semaphore(%arg8 : memref<!tpu.dma_semaphore, #tpu.memory_space<semaphore_mem>>)
        %dma_start3A_454 = arith.constant 32 : i32
        %dma_start3A_455 = arith.constant 0 : i32
        %dma_start3A_456 = tpu.memref_slice %arg6[%dma_start3A_454, %dma_start3A_455] : memref<40x128xf32, #tpu.memory_space<vmem>> -> memref<8x128xf32, #tpu.memory_space<vmem>>
        %dma_start3A_457 = arith.constant 0 : i32
        %dma_start3A_458 = arith.constant 14976 : i32
        %dma_start3A_459 = tpu.memref_slice %arg2[%dma_start3A_457, %sub3A_216, %dma_start3A_458] : memref<8x512x32000xf32, #tpu.memory_space<hbm>> -> memref<8x1x128xf32, #tpu.memory_space<hbm>>
        %dma_start3A_460 = tpu.memref_squeeze %dma_start3A_459 : memref<8x1x128xf32, #tpu.memory_space<hbm>> -> memref<8x128xf32, #tpu.memory_space<hbm>>
        %dma_start3A_461 = arith.constant 32 : i32
        %dma_start3A_462 = arith.constant 0 : i32
        %dma_start3A_463 = tpu.memref_slice %arg6[%dma_start3A_461, %dma_start3A_462] : memref<40x128xf32, #tpu.memory_space<vmem>> -> memref<8x128xf32, #tpu.memory_space<vmem>>
        %dma_start3A_464 = arith.constant 0 : i32
        %dma_start3A_465 = arith.constant 14976 : i32
        %dma_start3A_466 = tpu.memref_slice %arg2[%dma_start3A_464, %sub3A_216, %dma_start3A_465] : memref<8x512x32000xf32, #tpu.memory_space<hbm>> -> memref<8x1x128xf32, #tpu.memory_space<hbm>>
        %dma_start3A_467 = tpu.memref_squeeze %dma_start3A_466 : memref<8x1x128xf32, #tpu.memory_space<hbm>> -> memref<8x128xf32, #tpu.memory_space<hbm>>
        tpu.enqueue_dma source(%dma_start3A_467 : memref<8x128xf32, #tpu.memory_space<hbm>>) target(%dma_start3A_463 : memref<8x128xf32, #tpu.memory_space<vmem>>) target_semaphore(%arg8 : memref<!tpu.dma_semaphore, #tpu.memory_space<semaphore_mem>>)
        %dma_wait3A_468 = arith.constant 0 : i32
        %dma_wait3A_469 = arith.constant 0 : i32
        %dma_wait3A_470 = tpu.memref_slice %arg6[%dma_wait3A_468, %dma_wait3A_469] : memref<40x128xf32, #tpu.memory_space<vmem>> -> memref<8x128xf32, #tpu.memory_space<vmem>>
        %dma_wait3A_471 = arith.constant 0 : i32
        %dma_wait3A_472 = arith.constant 256 : i32
        %dma_wait3A_473 = tpu.memref_slice %arg2[%dma_wait3A_471, %sub3A_216, %dma_wait3A_472] : memref<8x512x32000xf32, #tpu.memory_space<hbm>> -> memref<8x1x128xf32, #tpu.memory_space<hbm>>
        %dma_wait3A_474 = tpu.memref_squeeze %dma_wait3A_473 : memref<8x1x128xf32, #tpu.memory_space<hbm>> -> memref<8x128xf32, #tpu.memory_space<hbm>>
        %dma_wait3A_475 = arith.constant 0 : i32
        %dma_wait3A_476 = arith.constant 0 : i32
        %dma_wait3A_477 = tpu.memref_slice %arg6[%dma_wait3A_475, %dma_wait3A_476] : memref<40x128xf32, #tpu.memory_space<vmem>> -> memref<8x128xf32, #tpu.memory_space<vmem>>
        %dma_wait3A_478 = arith.constant 0 : i32
        %dma_wait3A_479 = arith.constant 256 : i32
        %dma_wait3A_480 = tpu.memref_slice %arg2[%dma_wait3A_478, %sub3A_216, %dma_wait3A_479] : memref<8x512x32000xf32, #tpu.memory_space<hbm>> -> memref<8x1x128xf32, #tpu.memory_space<hbm>>
        %dma_wait3A_481 = tpu.memref_squeeze %dma_wait3A_480 : memref<8x1x128xf32, #tpu.memory_space<hbm>> -> memref<8x128xf32, #tpu.memory_space<hbm>>
        tpu.wait_dma2 semaphore(%arg8 : memref<!tpu.dma_semaphore, #tpu.memory_space<semaphore_mem>>) src(%dma_wait3A_481 : memref<8x128xf32, #tpu.memory_space<hbm>>) dst(%dma_wait3A_477 : memref<8x128xf32, #tpu.memory_space<vmem>>)
        %dma_wait3A_482 = arith.constant 8 : i32
        %dma_wait3A_483 = arith.constant 0 : i32
        %dma_wait3A_484 = tpu.memref_slice %arg6[%dma_wait3A_482, %dma_wait3A_483] : memref<40x128xf32, #tpu.memory_space<vmem>> -> memref<8x128xf32, #tpu.memory_space<vmem>>
        %dma_wait3A_485 = arith.constant 0 : i32
        %dma_wait3A_486 = arith.constant 1024 : i32
        %dma_wait3A_487 = tpu.memref_slice %arg2[%dma_wait3A_485, %sub3A_216, %dma_wait3A_486] : memref<8x512x32000xf32, #tpu.memory_space<hbm>> -> memref<8x1x128xf32, #tpu.memory_space<hbm>>
        %dma_wait3A_488 = tpu.memref_squeeze %dma_wait3A_487 : memref<8x1x128xf32, #tpu.memory_space<hbm>> -> memref<8x128xf32, #tpu.memory_space<hbm>>
        %dma_wait3A_489 = arith.constant 8 : i32
        %dma_wait3A_490 = arith.constant 0 : i32
        %dma_wait3A_491 = tpu.memref_slice %arg6[%dma_wait3A_489, %dma_wait3A_490] : memref<40x128xf32, #tpu.memory_space<vmem>> -> memref<8x128xf32, #tpu.memory_space<vmem>>
        %dma_wait3A_492 = arith.constant 0 : i32
        %dma_wait3A_493 = arith.constant 1024 : i32
        %dma_wait3A_494 = tpu.memref_slice %arg2[%dma_wait3A_492, %sub3A_216, %dma_wait3A_493] : memref<8x512x32000xf32, #tpu.memory_space<hbm>> -> memref<8x1x128xf32, #tpu.memory_space<hbm>>
        %dma_wait3A_495 = tpu.memref_squeeze %dma_wait3A_494 : memref<8x1x128xf32, #tpu.memory_space<hbm>> -> memref<8x128xf32, #tpu.memory_space<hbm>>
        tpu.wait_dma2 semaphore(%arg8 : memref<!tpu.dma_semaphore, #tpu.memory_space<semaphore_mem>>) src(%dma_wait3A_495 : memref<8x128xf32, #tpu.memory_space<hbm>>) dst(%dma_wait3A_491 : memref<8x128xf32, #tpu.memory_space<vmem>>)
        %dma_wait3A_496 = arith.constant 16 : i32
        %dma_wait3A_497 = arith.constant 0 : i32
        %dma_wait3A_498 = tpu.memref_slice %arg6[%dma_wait3A_496, %dma_wait3A_497] : memref<40x128xf32, #tpu.memory_space<vmem>> -> memref<8x128xf32, #tpu.memory_space<vmem>>
        %dma_wait3A_499 = arith.constant 0 : i32
        %dma_wait3A_500 = arith.constant 4480 : i32
        %dma_wait3A_501 = tpu.memref_slice %arg2[%dma_wait3A_499, %sub3A_216, %dma_wait3A_500] : memref<8x512x32000xf32, #tpu.memory_space<hbm>> -> memref<8x1x128xf32, #tpu.memory_space<hbm>>
        %dma_wait3A_502 = tpu.memref_squeeze %dma_wait3A_501 : memref<8x1x128xf32, #tpu.memory_space<hbm>> -> memref<8x128xf32, #tpu.memory_space<hbm>>
        %dma_wait3A_503 = arith.constant 16 : i32
        %dma_wait3A_504 = arith.constant 0 : i32
        %dma_wait3A_505 = tpu.memref_slice %arg6[%dma_wait3A_503, %dma_wait3A_504] : memref<40x128xf32, #tpu.memory_space<vmem>> -> memref<8x128xf32, #tpu.memory_space<vmem>>
        %dma_wait3A_506 = arith.constant 0 : i32
        %dma_wait3A_507 = arith.constant 4480 : i32
        %dma_wait3A_508 = tpu.memref_slice %arg2[%dma_wait3A_506, %sub3A_216, %dma_wait3A_507] : memref<8x512x32000xf32, #tpu.memory_space<hbm>> -> memref<8x1x128xf32, #tpu.memory_space<hbm>>
        %dma_wait3A_509 = tpu.memref_squeeze %dma_wait3A_508 : memref<8x1x128xf32, #tpu.memory_space<hbm>> -> memref<8x128xf32, #tpu.memory_space<hbm>>
        tpu.wait_dma2 semaphore(%arg8 : memref<!tpu.dma_semaphore, #tpu.memory_space<semaphore_mem>>) src(%dma_wait3A_509 : memref<8x128xf32, #tpu.memory_space<hbm>>) dst(%dma_wait3A_505 : memref<8x128xf32, #tpu.memory_space<vmem>>)
        %dma_wait3A_510 = arith.constant 24 : i32
        %dma_wait3A_511 = arith.constant 0 : i32
        %dma_wait3A_512 = tpu.memref_slice %arg6[%dma_wait3A_510, %dma_wait3A_511] : memref<40x128xf32, #tpu.memory_space<vmem>> -> memref<8x128xf32, #tpu.memory_space<vmem>>
        %dma_wait3A_513 = arith.constant 0 : i32
        %dma_wait3A_514 = arith.constant 9856 : i32
        %dma_wait3A_515 = tpu.memref_slice %arg2[%dma_wait3A_513, %sub3A_216, %dma_wait3A_514] : memref<8x512x32000xf32, #tpu.memory_space<hbm>> -> memref<8x1x128xf32, #tpu.memory_space<hbm>>
        %dma_wait3A_516 = tpu.memref_squeeze %dma_wait3A_515 : memref<8x1x128xf32, #tpu.memory_space<hbm>> -> memref<8x128xf32, #tpu.memory_space<hbm>>
        %dma_wait3A_517 = arith.constant 24 : i32
        %dma_wait3A_518 = arith.constant 0 : i32
        %dma_wait3A_519 = tpu.memref_slice %arg6[%dma_wait3A_517, %dma_wait3A_518] : memref<40x128xf32, #tpu.memory_space<vmem>> -> memref<8x128xf32, #tpu.memory_space<vmem>>
        %dma_wait3A_520 = arith.constant 0 : i32
        %dma_wait3A_521 = arith.constant 9856 : i32
        %dma_wait3A_522 = tpu.memref_slice %arg2[%dma_wait3A_520, %sub3A_216, %dma_wait3A_521] : memref<8x512x32000xf32, #tpu.memory_space<hbm>> -> memref<8x1x128xf32, #tpu.memory_space<hbm>>
        %dma_wait3A_523 = tpu.memref_squeeze %dma_wait3A_522 : memref<8x1x128xf32, #tpu.memory_space<hbm>> -> memref<8x128xf32, #tpu.memory_space<hbm>>
        tpu.wait_dma2 semaphore(%arg8 : memref<!tpu.dma_semaphore, #tpu.memory_space<semaphore_mem>>) src(%dma_wait3A_523 : memref<8x128xf32, #tpu.memory_space<hbm>>) dst(%dma_wait3A_519 : memref<8x128xf32, #tpu.memory_space<vmem>>)
        %dma_wait3A_524 = arith.constant 32 : i32
        %dma_wait3A_525 = arith.constant 0 : i32
        %dma_wait3A_526 = tpu.memref_slice %arg6[%dma_wait3A_524, %dma_wait3A_525] : memref<40x128xf32, #tpu.memory_space<vmem>> -> memref<8x128xf32, #tpu.memory_space<vmem>>
        %dma_wait3A_527 = arith.constant 0 : i32
        %dma_wait3A_528 = arith.constant 14976 : i32
        %dma_wait3A_529 = tpu.memref_slice %arg2[%dma_wait3A_527, %sub3A_216, %dma_wait3A_528] : memref<8x512x32000xf32, #tpu.memory_space<hbm>> -> memref<8x1x128xf32, #tpu.memory_space<hbm>>
        %dma_wait3A_530 = tpu.memref_squeeze %dma_wait3A_529 : memref<8x1x128xf32, #tpu.memory_space<hbm>> -> memref<8x128xf32, #tpu.memory_space<hbm>>
        %dma_wait3A_531 = arith.constant 32 : i32
        %dma_wait3A_532 = arith.constant 0 : i32
        %dma_wait3A_533 = tpu.memref_slice %arg6[%dma_wait3A_531, %dma_wait3A_532] : memref<40x128xf32, #tpu.memory_space<vmem>> -> memref<8x128xf32, #tpu.memory_space<vmem>>
        %dma_wait3A_534 = arith.constant 0 : i32
        %dma_wait3A_535 = arith.constant 14976 : i32
        %dma_wait3A_536 = tpu.memref_slice %arg2[%dma_wait3A_534, %sub3A_216, %dma_wait3A_535] : memref<8x512x32000xf32, #tpu.memory_space<hbm>> -> memref<8x1x128xf32, #tpu.memory_space<hbm>>
        %dma_wait3A_537 = tpu.memref_squeeze %dma_wait3A_536 : memref<8x1x128xf32, #tpu.memory_space<hbm>> -> memref<8x128xf32, #tpu.memory_space<hbm>>
        tpu.wait_dma2 semaphore(%arg8 : memref<!tpu.dma_semaphore, #tpu.memory_space<semaphore_mem>>) src(%dma_wait3A_537 : memref<8x128xf32, #tpu.memory_space<hbm>>) dst(%dma_wait3A_533 : memref<8x128xf32, #tpu.memory_space<vmem>>)
      } else {
      }
      %lt3A = arith.constant 8 : i32
      %lt3A_295 = vector.broadcast %lt3A : i32 to vector<16xi32>
      %lt3A_296 = arith.cmpi slt, %iota3A, %lt3A_295 : vector<16xi32>
      %jit3A = arith.constant 0 : i32
      %broadcast_in_dim3A = vector.broadcast %jit3A : i32 to vector<16xi32>
      %select_n3A = arith.select %lt3A_296, %iota3A, %broadcast_in_dim3A : vector<16xi1>, vector<16xi32>
      %add3A_297 = arith.constant 0 : i32
      %add3A_298 = vector.broadcast %add3A_297 : i32 to vector<16xi32>
      %add3A_299 = arith.addi %add3A_298, %select_n3A : vector<16xi32>
      %mul3A = arith.constant 0 : i32
      %mul3A_300 = vector.broadcast %mul3A : i32 to vector<16xi32>
      %mul3A_301 = arith.muli %iota3A, %mul3A_300 : vector<16xi32>
      %add3A_302 = arith.constant 89 : i32
      %add3A_303 = vector.broadcast %add3A_302 : i32 to vector<16xi32>
      %add3A_304 = arith.addi %mul3A_301, %add3A_303 : vector<16xi32>
      %gather3A = tpu.vector_load_idx %arg6[%add3A_299, %add3A_304] : memref<40x128xf32, #tpu.memory_space<vmem>>[vector<16xi32>, vector<16xi32>], vector<16xf32>,
      %add3A_305 = arith.constant 8 : i32
      %add3A_306 = vector.broadcast %add3A_305 : i32 to vector<16xi32>
      %add3A_307 = arith.addi %add3A_306, %select_n3A : vector<16xi32>
      %mul3A_308 = arith.constant 0 : i32
      %mul3A_309 = vector.broadcast %mul3A_308 : i32 to vector<16xi32>
      %mul3A_310 = arith.muli %iota3A, %mul3A_309 : vector<16xi32>
      %add3A_311 = arith.constant 77 : i32
      %add3A_312 = vector.broadcast %add3A_311 : i32 to vector<16xi32>
      %add3A_313 = arith.addi %mul3A_310, %add3A_312 : vector<16xi32>
      %gather3A_314 = tpu.vector_load_idx %arg6[%add3A_307, %add3A_313] : memref<40x128xf32, #tpu.memory_space<vmem>>[vector<16xi32>, vector<16xi32>], vector<16xf32>,
      %add3A_315 = arith.constant 16 : i32
      %add3A_316 = vector.broadcast %add3A_315 : i32 to vector<16xi32>
      %add3A_317 = arith.addi %add3A_316, %select_n3A : vector<16xi32>
      %mul3A_318 = arith.constant 0 : i32
      %mul3A_319 = vector.broadcast %mul3A_318 : i32 to vector<16xi32>
      %mul3A_320 = arith.muli %iota3A, %mul3A_319 : vector<16xi32>
      %add3A_321 = arith.constant 43 : i32
      %add3A_322 = vector.broadcast %add3A_321 : i32 to vector<16xi32>
      %add3A_323 = arith.addi %mul3A_320, %add3A_322 : vector<16xi32>
      %gather3A_324 = tpu.vector_load_idx %arg6[%add3A_317, %add3A_323] : memref<40x128xf32, #tpu.memory_space<vmem>>[vector<16xi32>, vector<16xi32>], vector<16xf32>,
      %add3A_325 = arith.constant 24 : i32
      %add3A_326 = vector.broadcast %add3A_325 : i32 to vector<16xi32>
      %add3A_327 = arith.addi %add3A_326, %select_n3A : vector<16xi32>
      %mul3A_328 = arith.constant 0 : i32
      %mul3A_329 = vector.broadcast %mul3A_328 : i32 to vector<16xi32>
      %mul3A_330 = arith.muli %iota3A, %mul3A_329 : vector<16xi32>
      %add3A_331 = arith.constant 16 : i32
      %add3A_332 = vector.broadcast %add3A_331 : i32 to vector<16xi32>
      %add3A_333 = arith.addi %mul3A_330, %add3A_332 : vector<16xi32>
      %gather3A_334 = tpu.vector_load_idx %arg6[%add3A_327, %add3A_333] : memref<40x128xf32, #tpu.memory_space<vmem>>[vector<16xi32>, vector<16xi32>], vector<16xf32>,
      %add3A_335 = arith.constant 32 : i32
      %add3A_336 = vector.broadcast %add3A_335 : i32 to vector<16xi32>
      %add3A_337 = arith.addi %add3A_336, %select_n3A : vector<16xi32>
      %mul3A_338 = arith.constant 0 : i32
      %mul3A_339 = vector.broadcast %mul3A_338 : i32 to vector<16xi32>
      %mul3A_340 = arith.muli %iota3A, %mul3A_339 : vector<16xi32>
      %add3A_341 = arith.constant 24 : i32
      %add3A_342 = vector.broadcast %add3A_341 : i32 to vector<16xi32>
      %add3A_343 = arith.addi %mul3A_340, %add3A_342 : vector<16xi32>
      %gather3A_344 = tpu.vector_load_idx %arg6[%add3A_337, %add3A_343] : memref<40x128xf32, #tpu.memory_space<vmem>>[vector<16xi32>, vector<16xi32>], vector<16xf32>,
      %max3A = arith.maximumf %gather3A, %gather3A_314 : vector<16xf32>
      %max3A_345 = arith.maximumf %max3A, %gather3A_324 : vector<16xf32>
      %max3A_346 = arith.maximumf %max3A_345, %gather3A_334 : vector<16xf32>
      %max3A_347 = arith.maximumf %max3A_346, %gather3A_344 : vector<16xf32>
      %sub3A_348 = arith.subf %gather3A, %max3A_347 : vector<16xf32>
      %exp3A = math.exp %sub3A_348 : vector<16xf32>
      %sub3A_349 = arith.subf %gather3A_314, %max3A_347 : vector<16xf32>
      %exp3A_350 = math.exp %sub3A_349 : vector<16xf32>
      %sub3A_351 = arith.subf %gather3A_324, %max3A_347 : vector<16xf32>
      %exp3A_352 = math.exp %sub3A_351 : vector<16xf32>
      %sub3A_353 = arith.subf %gather3A_334, %max3A_347 : vector<16xf32>
      %exp3A_354 = math.exp %sub3A_353 : vector<16xf32>
      %sub3A_355 = arith.subf %gather3A_344, %max3A_347 : vector<16xf32>
      %exp3A_356 = math.exp %sub3A_355 : vector<16xf32>
      %add3A_357 = arith.addf %exp3A, %exp3A_350 : vector<16xf32>
      %add3A_358 = arith.addf %add3A_357, %exp3A_352 : vector<16xf32>
      %add3A_359 = arith.addf %add3A_358, %exp3A_354 : vector<16xf32>
      %add3A_360 = arith.addf %add3A_359, %exp3A_356 : vector<16xf32>
      %lt3A_361 = arith.constant 8 : i32
      %lt3A_362 = vector.broadcast %lt3A_361 : i32 to vector<16xi32>
      %lt3A_363 = arith.cmpi slt, %iota3A, %lt3A_362 : vector<16xi32>
      %mul3A_364 = arith.constant 0 : i32
      %mul3A_365 = vector.broadcast %mul3A_364 : i32 to vector<16xi32>
      %mul3A_366 = arith.muli %iota3A, %mul3A_365 : vector<16xi32>
      %add3A_367 = arith.constant 0 : i32
      %add3A_368 = vector.broadcast %add3A_367 : i32 to vector<16xi32>
      %add3A_369 = arith.addi %mul3A_366, %add3A_368 : vector<16xi32>
      %div3A = arith.divf %exp3A, %add3A_360 : vector<16xf32>
      tpu.vector_store_idx %arg7[%select_n3A, %add3A_369], %div3A masked %lt3A_363 : memref<8x5xf32, #tpu.memory_space<vmem>>[vector<16xi32>, vector<16xi32>], vector<16xf32>, vector<16xi1>
      %mul3A_370 = arith.constant 0 : i32
      %mul3A_371 = vector.broadcast %mul3A_370 : i32 to vector<16xi32>
      %mul3A_372 = arith.muli %iota3A, %mul3A_371 : vector<16xi32>
      %add3A_373 = arith.constant 1 : i32
      %add3A_374 = vector.broadcast %add3A_373 : i32 to vector<16xi32>
      %add3A_375 = arith.addi %mul3A_372, %add3A_374 : vector<16xi32>
      %div3A_376 = arith.divf %exp3A_350, %add3A_360 : vector<16xf32>
      tpu.vector_store_idx %arg7[%select_n3A, %add3A_375], %div3A_376 masked %lt3A_363 : memref<8x5xf32, #tpu.memory_space<vmem>>[vector<16xi32>, vector<16xi32>], vector<16xf32>, vector<16xi1>
      %mul3A_377 = arith.constant 0 : i32
      %mul3A_378 = vector.broadcast %mul3A_377 : i32 to vector<16xi32>
      %mul3A_379 = arith.muli %iota3A, %mul3A_378 : vector<16xi32>
      %add3A_380 = arith.constant 2 : i32
      %add3A_381 = vector.broadcast %add3A_380 : i32 to vector<16xi32>
      %add3A_382 = arith.addi %mul3A_379, %add3A_381 : vector<16xi32>
      %div3A_383 = arith.divf %exp3A_352, %add3A_360 : vector<16xf32>
      tpu.vector_store_idx %arg7[%select_n3A, %add3A_382], %div3A_383 masked %lt3A_363 : memref<8x5xf32, #tpu.memory_space<vmem>>[vector<16xi32>, vector<16xi32>], vector<16xf32>, vector<16xi1>
      %mul3A_384 = arith.constant 0 : i32
      %mul3A_385 = vector.broadcast %mul3A_384 : i32 to vector<16xi32>
      %mul3A_386 = arith.muli %iota3A, %mul3A_385 : vector<16xi32>
      %add3A_387 = arith.constant 3 : i32
      %add3A_388 = vector.broadcast %add3A_387 : i32 to vector<16xi32>
      %add3A_389 = arith.addi %mul3A_386, %add3A_388 : vector<16xi32>
      %div3A_390 = arith.divf %exp3A_354, %add3A_360 : vector<16xf32>
      tpu.vector_store_idx %arg7[%select_n3A, %add3A_389], %div3A_390 masked %lt3A_363 : memref<8x5xf32, #tpu.memory_space<vmem>>[vector<16xi32>, vector<16xi32>], vector<16xf32>, vector<16xi1>
      %mul3A_391 = arith.constant 0 : i32
      %mul3A_392 = vector.broadcast %mul3A_391 : i32 to vector<16xi32>
      %mul3A_393 = arith.muli %iota3A, %mul3A_392 : vector<16xi32>
      %add3A_394 = arith.constant 4 : i32
      %add3A_395 = vector.broadcast %add3A_394 : i32 to vector<16xi32>
      %add3A_396 = arith.addi %mul3A_393, %add3A_395 : vector<16xi32>
      %div3A_397 = arith.divf %exp3A_356, %add3A_360 : vector<16xf32>
      tpu.vector_store_idx %arg7[%select_n3A, %add3A_396], %div3A_397 masked %lt3A_363 : memref<8x5xf32, #tpu.memory_space<vmem>>[vector<16xi32>, vector<16xi32>], vector<16xf32>, vector<16xi1>
      "tpu.region"() ({
        %run_scoped3A_398 = tpu.sem_alloc : memref<!tpu.dma_semaphore, #tpu.memory_space<semaphore_mem>>
        tpu.enqueue_dma source(%arg7 : memref<8x5xf32, #tpu.memory_space<vmem>>) target(%arg4 : memref<8x5xf32, #tpu.memory_space<hbm>>) target_semaphore(%run_scoped3A_398 : memref<!tpu.dma_semaphore, #tpu.memory_space<semaphore_mem>>)
        tpu.wait_dma2 semaphore(%run_scoped3A_398 : memref<!tpu.dma_semaphore, #tpu.memory_space<semaphore_mem>>) src(%arg7 : memref<8x5xf32, #tpu.memory_space<vmem>>) dst(%arg4 : memref<8x5xf32, #tpu.memory_space<hbm>>)
        tpu.yield
      }) : () -> ()
    } else {
    }
    return
  }
}

</mosaic_0001>

<sc_bundles>
// kernel: kernel.3.cloned.1.call-start
scs
__scs_entry_jumppad:
0x0: {  	(pc) =	sbr.rel $0x88, $3  }
0x1: {  	(tag) =	ssettag $0x0;
	lr =	simm.s32 $0x1  }
0x2: {  	[smem:$0x3F9F] =	sst lr;
	_ =	strace $0xD0000000  }
0x3: {  	_ = 	snop  }
0x4: {  	_ = 	snop  }
0x5: {  	_ = 	snop  }
0x6: {  	_ = 	snop  }
0x7: {  	_ = 	snop  }
__scs_overlays_trampoline_lowered:
0x8: {  	[smem:$0x3FAE] =	sst s0  }
0x9: {  	[smem:$0x3FAF] =	sst s1  }
0xa: {  	[smem:$0x3FB0] =	sst s2  }
0xb: {  	[smem:$0x3FB1] =	sst s3  }
0xc: {  	[smem:$0x3FB2] =	sst s4  }
0xd: {  	[smem:$0x3FB3] =	sst s5  }
0xe: {  	[smem:$0x3FB4] =	sst s6  }
0xf: {  	[smem:$0x3FB5] =	sst s7  }
0x10: {  	[smem:$0x3FB6] =	sst s8  }
0x11: {  	[smem:$0x3FB7] =	sst s9;
	s0 =	simm.s32 @!p0 $0x0  }
0x12: {  	s1 =	sld [smem:$0x3F9D];
	s0 =	simm.s32 @p0 $0x1  }
0x13: {  	[smem:$0x3FB8] =	sst s0;
	s0 =	simm.s32 @!p1 $0x0  }
0x14: {  	s2 =	sld [smem:$0x3F9C];
	s0 =	simm.s32 @p1 $0x1  }
0x15: {  	[smem:$0x3FB9] =	sst s0;
	s0 =	simm.s32 @!p2 $0x0  }
0x16: {  	s3 =	sld [smem:$0x3FDB];
	s0 =	simm.s32 @p2 $0x1  }
0x17: {  	s4 =	simm.s32 $0x1BF5;
	[smem:$0x3FBB] =	sst s0  }
0x18: {  	s0 =	sld [smem:$0x3F9E];
	_ =	swait.ge [sflag:s4], $0x0  }
0x19: {  	s7 =	sld [smem:$0x3F9F]  }
0x1a: {  	s8 =	sadd.s32 $0xFFFFE003, lr  }
0x1b: {  	s9 =	sadd.s32 $0xFFFFFEF7, lr;
	s5 =	simm.s32 $0xFFFFFFFF;
	p2 =	slt.u32 s8, $0xFFFFF086  }
0x1c: {  	p1 =	slt.u32 s9, $0xF7A;
	s5 =	simm.s32 @!p2 $0x0  }
0x1d: {  	s5 =	simm.s32 @p1 $0x1;
	p0 =	seq.s32 s7, s2  }
0x1e: {  	s7 =	smul.u32 @!p0 $0xF7A, s2;
	p2 =	seq.s32 @!p0 s5, $0x0  }
0x1f: {  	s9 =	smul.u32 $0xF7A, s1;
	s8 =	simm.s32 @!p0 $0x1BF5;
	p2 =	por !p2, p0  }
0x20: {  	[sflag:s8] =	ssyncset.s32 @!p0 $0xFFFFF086;
	s6 =	sadd.s32 @!p0 s3, s7;
	s7 =	simm.s32 @!p0 $0x108  }
0x21: {  	s3 =	sadd.s32 s3, s9;
	s6 =	sadd.s32 @!p0 $0x88, s6;
	s7 =	simm.s32 @p2 $0x1082  }
0x22: {  	[simem:s7], [sflag:s8] =	dma.local @!p0 [hbm:s6], $0xF7A  }
0x23: {  	s9 =	sor.u32 $0xD0000000, s2;
	s6 =	simm.s32 $0x108;
	_ =	swait.ge @!p0 [sflag:s8], $0x0  }
0x24: {  	s3 =	sadd.s32 $0x88, s3;
	s6 =	simm.s32 @!p1 $0x1082;
	[sflag:s4] =	ssyncset.s32 $0xFFFFF086  }
0x25: {  	[simem:s6], [sflag:s4] =	dma.local [hbm:s3], $0xF7A  }
0x26: {  	[smem:$0x3F9F] =	sst s1;
	(tag) =	ssettag s2;
	_ =	strace s9  }
0x27: {  	s1 =	sld [smem:$0x3FAF]  }
0x28: {  	s2 =	sld [smem:$0x3FB0]  }
0x29: {  	s4 =	sld [smem:$0x3FB2]  }
0x2a: {  	p0 =	seq.s32 s5, $0x0;
	s5 =	sld [smem:$0x3FB3]  }
0x2b: {  	s6 =	sld [smem:$0x3FB4]  }
0x2c: {  	s7 =	sld [smem:$0x3FB5]  }
0x2d: {  	s3 =	simm.s32 $0x108;
	s8 =	sld [smem:$0x3FB6]  }
0x2e: {  	s3 =	simm.s32 @!p0 $0x1082;
	s9 =	sld [smem:$0x3FB7]  }
0x2f: {  	lr =	sadd.s32 s0, s3;
	s0 =	sld [smem:$0x3FAE]  }
0x30: {  	s3 =	sld [smem:$0x3FB1]  }
0x31: {  	[smem:$0x3FBA] =	sst s10  }
0x32: {  	s10 =	sld [smem:$0x3FB8];
	_ =	sdelay $0x3  }
0x33: {  	p0 =	seq.s32 s10, $0x1;
	s10 =	sld [smem:$0x3FBA];
	_ =	sdelay $0x3  }
0x34: {  	[smem:$0x3FBA] =	sst s10  }
0x35: {  	s10 =	sld [smem:$0x3FB9];
	_ =	sdelay $0x3  }
0x36: {  	p1 =	seq.s32 s10, $0x1;
	s10 =	sld [smem:$0x3FBA];
	_ =	sdelay $0x3  }
0x37: {  	[smem:$0x3FBA] =	sst s10  }
0x38: {  	s10 =	sld [smem:$0x3FBB]  }
0x39: {  	_ = 	snop;
	(pc) =	sbr.ind lr, $3  }
0x3a: {  	_ = 	snop  }
0x3b: {  	_ = 	snop  }
0x3c: {  	p2 =	seq.s32 s10, $0x1;
	s10 =	sld [smem:$0x3FBA]  }
0x3d: {  	_ =	shalt  }
0x3e: {  	_ =	shalt  }
0x3f: {  	_ =	shalt  }
0x40: {  	_ =	shalt  }
0x41: {  	_ =	shalt  }
0x42: {  	_ =	shalt  }
0x43: {  	_ =	shalt  }
0x44: {  	_ =	shalt  }
0x45: {  	_ =	shalt  }
0x46: {  	_ =	shalt  }
0x47: {  	_ =	shalt  }
0x48: {  	_ =	shalt  }
0x49: {  	_ =	shalt  }
0x4a: {  	_ =	shalt  }
0x4b: {  	_ =	shalt  }
0x4c: {  	_ =	shalt  }
0x4d: {  	_ =	shalt  }
0x4e: {  	_ =	shalt  }
0x4f: {  	_ =	shalt  }
0x50: {  	_ =	shalt  }
0x51: {  	_ =	shalt  }
0x52: {  	_ =	shalt  }
0x53: {  	_ =	shalt  }
0x54: {  	_ =	shalt  }
0x55: {  	_ =	shalt  }
0x56: {  	_ =	shalt  }
0x57: {  	_ =	shalt  }
0x58: {  	_ =	shalt  }
0x59: {  	_ =	shalt  }
0x5a: {  	_ =	shalt  }
0x5b: {  	_ =	shalt  }
0x5c: {  	_ =	shalt  }
0x5d: {  	_ =	shalt  }
0x5e: {  	_ =	shalt  }
0x5f: {  	_ =	shalt  }
0x60: {  	_ =	shalt  }
0x61: {  	_ =	shalt  }
0x62: {  	_ =	shalt  }
0x63: {  	_ =	shalt  }
0x64: {  	_ =	shalt  }
0x65: {  	_ =	shalt  }
0x66: {  	_ =	shalt  }
0x67: {  	_ =	shalt  }
0x68: {  	_ =	shalt  }
0x69: {  	_ =	shalt  }
0x6a: {  	_ =	shalt  }
0x6b: {  	_ =	shalt  }
0x6c: {  	_ =	shalt  }
0x6d: {  	_ =	shalt  }
0x6e: {  	_ =	shalt  }
0x6f: {  	_ =	shalt  }
0x70: {  	_ =	shalt  }
0x71: {  	_ =	shalt  }
0x72: {  	_ =	shalt  }
0x73: {  	_ =	shalt  }
0x74: {  	_ =	shalt  }
0x75: {  	_ =	shalt  }
0x76: {  	_ =	shalt  }
0x77: {  	_ =	shalt  }
0x78: {  	_ =	shalt  }
0x79: {  	_ =	shalt  }
0x7a: {  	_ =	shalt  }
0x7b: {  	_ =	shalt  }
0x7c: {  	_ =	shalt  }
0x7d: {  	_ =	shalt  }
0x7e: {  	_ =	shalt  }
0x7f: {  	_ =	shalt  }
0x80: {  	_ =	shalt  }
0x81: {  	_ =	shalt  }
0x82: {  	_ =	shalt  }
0x83: {  	_ =	shalt  }
0x84: {  	_ =	shalt  }
0x85: {  	_ =	shalt  }
0x86: {  	_ =	shalt  }
0x87: {  	_ =	shalt  }
.Lfunc_end0:
.L_simem_size_0:
called_computation_lowered:
.L_overlay_start_0:
0x88: {  	s0 =	sld [smem:$0x3FD9]  }
0x89: {  	s1 =	sld [smem:$0x3FFE];
	_ =	sdelay $0x3  }
0x8a: {  	s0 =	sadd.s32 s1, s0  }
0x8b: {  	[smem:$0x3FC6] =	sst s0  }
0x8c: {  	_ = 	snop  }
0x8d: {  	s0 =	sld [smem:$0x3FC9]  }
0x8e: {  	s17 =	sld [smem:$0x3FC8]  }
0x8f: {  	s2 =	sld [smem:$0x3FD0];
	(tm) =	ssettm $0x1  }
0x90: {  	s3 =	sld [smem:$0x3FFB];
	_ =	sdelay $0x3  }
0x91: {  	_ =	strace s3  }
0x92: {  	s3 =	sld [smem:$0x3FFC];
	_ =	sdelay $0x3  }
0x93: {  	_ =	strace s3  }
0x94: {  	s3 =	sld [smem:$0x3FFD];
	_ =	sdelay $0x3  }
0x95: {  	_ =	strace s3  }
0x96: {  	_ =	strace $0x8FFFFFFF  }
0x97: {  	s18 =	sld [smem:$0x3FDB];
	_ =	sdelay $0x1  }
0x98: {  	s4 =	simm.s32 $_scs_section_size  }
0x99: {  	s5 =	simm.s32 $_size__tile_overlayer_lowered;
	s6 =	simm.s32 $_tile_overlayer_lowered  }
0x9a: {  	s21 =	simm.s32 $0x1BFF;
	s20 =	sshll.u32 s6, $0x1;
	s3 =	sadd.s32 s4, s18  }
0x9b: {  	s7 =	simm.s32 $0x0;
	s19 =	sshll.u32 s5, $0x1;
	s5 =	sadd.s32 s20, s3  }
0x9c: {  	[timem:s7], [sflag:s21] =	dma.local [hbm:s5], s19  }
0x9d: {  	_ =	swait.ge [sflag:s21], s19  }
0x9e: {  	s4 =	ssub.s32 $0x0, s19;
	[sflag:s21] =	ssyncset.done $0x0  }
0x9f: {  	[sflag:s21] =	ssyncadd.s32 s4;
	_ =	sdelay $0x1  }
0xa0: {  	s22 =	simm.s32 $0x1B8B  }
0xa1: {  	_ =	swait.ge [sflag:s22], $0x1  }
0xa2: {  	[sflag:s22] =	ssyncset.done $0x0  }
0xa3: {  	s23 =	simm.s32 $0x1B8E;
	[sflag:s22] =	ssyncadd.s32 $0xFFFFFFFF  }
0xa4: {  	s24 =	simm.s32 $execute0_lowered;
	[smem:$0x3FD2] =	sst s23  }
0xa5: {  	s4 =	sshll.u32 s24, $0x1;
	_ =	strace $0x80000046;
	[dreg:$0x1] =	wrdreg $0xFFFFFFFF  }
0xa6: {  	s25 =	simm.s32 $_size_execute0_lowered;
	s3 =	sadd.s32 s3, s4;
	[dreg:$0x0] =	wrdreg $0x0  }
0xa7: {  	s4 =	sshll.u32 s25, $0x1;
	[dreg:$0x2] =	wrdreg s3  }
0xa8: {  	[dreg:$0x3] =	wrdreg s4  }
0xa9: {  	[dreg:$0x4] =	wrdreg $0xC0  }
0xaa: {  	_ =	task [dreg:s7], $0x5FFFF  }
0xab: {  	[dreg:$0x1] =	wrdreg $0xFFFFFFFF  }
0xac: {  	[dreg:$0x0] =	wrdreg $0x60  }
0xad: {  	[dreg:$0x2] =	wrdreg s0  }
0xae: {  	[dreg:$0x3] =	wrdreg s17  }
0xaf: {  	[dreg:$0x4] =	wrdreg s2  }
0xb0: {  	[dreg:$0x5] =	wrdreg $0x9  }
0xb1: {  	_ =	task.clear_ibuf [dreg:s7], $0x6FFFF;
	_ =	strace $0x90000046  }
0xb2: {  	s26 =	simm.s32 $0x9;
	_ =	strace $0x80000048  }
0xb3: {  	_ =	swait.ge [sflag:s26], $0x1  }
0xb4: {  	[sflag:s26] =	ssyncadd.s32 $0xFFFFFFFF  }
0xb5: {  	_ =	strace $0x90000048  }
0xb6: {  	_ =	sfence  }
0xb7: {  	s28 =	sld [smem:$0x0];
	_ =	sdelay $0x1  }
0xb8: {  	s29 =	srdreg.scid  }
0xb9: {  	s30 =	sshll.u32 s29, $0xD;
	s31 =	sshrl.u32 s29, $0x2  }
0xba: {  	s1 =	sand.u32 $0x1, s29;
	s2 =	sand.u32 $0x4000, s30;
	s0 =	sadd.s32 s31, s28  }
0xbb: {  	s1 =	sor.u32 s2, s1;
	s0 =	sshll.u32 s0, $0x11  }
0xbc: {  	s0 =	sor.u32 s0, s1  }
0xbd: {  	s0 =	sadd.s32 $0x8F2B, s0  }
0xbe: {  	[sflag:s0] =	ssyncadd.remote.s32 $0x1  }
0xbf: {  	_ =	sfence.sel $0xFFFF  }
0xc0: {  	[dreg:$0x0] =	wrdreg $0xFFFFFFFF;
	(pc) =	sbr.abs _section_cstart, $3  }
0xc1: {  	[dreg:$0x1] =	wrdreg $0xFFFFFFFF  }
0xc2: {  	_ =	task.clear_ibuf [dreg:s7], $0x2FFFF;
	_ =	strace $0x9FFFFFFF  }
0xc3: {  	(tm) =	ssettm $0x7FFFFFFF  }
tec
execute0_lowered:
.L_overlay_start_1:
0x0: {  	(tag) =	ssettag $0x1  }
0x1: {  	s5 =	rddreg [dreg:$0x0]  }
0x2: {  	s3 =	rddreg [dreg:$0x1]  }
0x3: {  	s1 =	rddreg [dreg:$0x2];
	s2 =	simm.s32 $0x0  }
0x4: {  	s4 =	stileid.u32;
	[smem:$0x7FF] =	sst s2  }
0x5: {  	s0 =	rddreg [dreg:$0x3];
	p0 =	sne.s32 s4, $0x0;
	_ =	strace $0x80000047  }
0x6: {  	_ =	sfence.sel @p0 $0x180000  }
0x7: {  	[bflag:$0x0] =	sbarrier.arrive @p0 $0xFFFF  }
0x8: {  	_ =	strace @p0 $0x90000047  }
0x9: {  	[bflag:$0x2] =	sbarrier.arrive @p0 $0xFFFF  }
0xa: {  	_ =	shalt @p0  }
.LBB2_1:
0xb: {  	s6 =	sadd.s32 $0x1EC470, s5  }
0xc: {  	s7 =	simm.s32 $0x80;
	s8 =	simm.s32 $0xFA0000;
	s4 =	simm.s32 $0x200  }
0xd: {  	[tilespmem:s4], [sflag:$0x1] =	stream.strided.gather [hbm4b:s6+s7], $0x400, s8, s7, $0x38;
	[tilespmem:$0x1A00] =	vst v63  }
0xe: {  	s31 =	sadd.s32 $0x1EC770, s5;
	s9 =	simm.s32 $0x600  }
0xf: {  	[tilespmem:s9], [sflag:$0x1] =	stream.strided.gather [hbm4b:s31+s7], $0x400, s8, s7, $0x38;
	[tilespmem:$0x1A00] =	vst v63  }
0x10: {  	s10 =	simm.s32 $0xA00;
	s9 =	sadd.s32 $0x1ED4F0, s5  }
0x11: {  	[tilespmem:s10], [sflag:$0x1] =	stream.strided.gather [hbm4b:s9+s7], $0x400, s8, s7, $0x38;
	[tilespmem:$0x1A00] =	vst v63  }
0x12: {  	s11 =	sadd.s32 $0x1EE9F0, s5;
	s12 =	simm.s32 $0xE00  }
0x13: {  	[tilespmem:s12], [sflag:$0x1] =	stream.strided.gather [hbm4b:s11+s7], $0x400, s8, s7, $0x38;
	[tilespmem:$0x1A00] =	vst v63  }
0x14: {  	s13 =	sadd.s32 $0x1EFDF0, s5;
	s14 =	simm.s32 $0x1200  }
0x15: {  	[tilespmem:s14], [sflag:$0x1] =	stream.strided.gather [hbm4b:s13+s7], $0x400, s8, s7, $0x38;
	[tilespmem:$0x1A00] =	vst v63  }
0x16: {  	s15 =	simm.s32 $0x400;
	s16 =	simm.s32 $0x2  }
0x17: {  	[tilespmem:s2], [sflag:$0x2] =	stream.strided.gather [hbm4b:s3+s7], $0x200, s15, s7, $0x38;
	[tilespmem:$0x1A00] =	vst v63  }
0x18: {  	_ =	swait.ge [sflag:s16], $0x200  }
0x19: {  	[sflag:s16] =	ssyncset.done $0x0  }
0x1a: {  	[sflag:s16] =	ssyncadd.s32 $0xFFFFFE00  }
0x1b: {  	v0 =	vld [tilespmem:$0x0]  }
0x1c: {  	v1 =	vld [tilespmem:$0x10]  }
0x1d: {  	v2 =	vld [tilespmem:$0x20]  }
0x1e: {  	v3 =	vld [tilespmem:$0x30]  }
0x1f: {  	v4 =	vld [tilespmem:$0x40]  }
0x20: {  	v5 =	vld [tilespmem:$0x50]  }
0x21: {  	v16 =	vld [tilespmem:$0x60];
	v0 =	vadd.s32 v0, v1  }
0x22: {  	v17 =	vld [tilespmem:$0x70];
	v0 =	vadd.s32 v2, v0  }
0x23: {  	v18 =	vld [tilespmem:$0x80];
	v0 =	vadd.s32 v3, v0  }
0x24: {  	v19 =	vld [tilespmem:$0x90];
	v0 =	vadd.s32 v4, v0  }
0x25: {  	v20 =	vld [tilespmem:$0xA0];
	v0 =	vadd.s32 v5, v0  }
0x26: {  	v21 =	vld [tilespmem:$0xB0];
	v0 =	vadd.s32 v16, v0  }
0x27: {  	v22 =	vld [tilespmem:$0xC0];
	v0 =	vadd.s32 v17, v0  }
0x28: {  	v23 =	vld [tilespmem:$0xD0];
	v0 =	vadd.s32 v18, v0  }
0x29: {  	v24 =	vld [tilespmem:$0xE0];
	v0 =	vadd.s32 v19, v0  }
0x2a: {  	v25 =	vld [tilespmem:$0xF0];
	v0 =	vadd.s32 v20, v0  }
0x2b: {  	v26 =	vld [tilespmem:$0x100];
	v0 =	vadd.s32 v21, v0  }
0x2c: {  	v27 =	vld [tilespmem:$0x110];
	v0 =	vadd.s32 v22, v0  }
0x2d: {  	v28 =	vld [tilespmem:$0x120];
	v0 =	vadd.s32 v23, v0  }
0x2e: {  	v29 =	vld [tilespmem:$0x130];
	v0 =	vadd.s32 v24, v0  }
0x2f: {  	v30 =	vld [tilespmem:$0x140];
	v0 =	vadd.s32 v25, v0  }
0x30: {  	v31 =	vld [tilespmem:$0x150];
	v0 =	vadd.s32 v26, v0  }
0x31: {  	v32 =	vld [tilespmem:$0x160];
	v0 =	vadd.s32 v27, v0  }
0x32: {  	v33 =	vld [tilespmem:$0x170];
	v0 =	vadd.s32 v28, v0  }
0x33: {  	v34 =	vld [tilespmem:$0x180];
	v0 =	vadd.s32 v29, v0  }
0x34: {  	v35 =	vld [tilespmem:$0x190];
	v0 =	vadd.s32 v30, v0  }
0x35: {  	v36 =	vld [tilespmem:$0x1A0];
	v0 =	vadd.s32 v31, v0  }
0x36: {  	v37 =	vld [tilespmem:$0x1B0];
	v0 =	vadd.s32 v32, v0  }
0x37: {  	v38 =	vld [tilespmem:$0x1C0];
	v0 =	vadd.s32 v33, v0  }
0x38: {  	v39 =	vld [tilespmem:$0x1D0];
	v0 =	vadd.s32 v34, v0  }
0x39: {  	v40 =	vld [tilespmem:$0x1E0];
	v0 =	vadd.s32 v35, v0  }
0x3a: {  	v41 =	vld [tilespmem:$0x1F0];
	v0 =	vadd.s32 v36, v0  }
0x3b: {  	v0 =	vadd.s32 v37, v0  }
0x3c: {  	v0 =	vadd.s32 v38, v0  }
0x3d: {  	v0 =	vadd.s32 v39, v0  }
0x3e: {  	v0 =	vadd.s32 v40, v0  }
0x3f: {  	v0 =	vadd.s32 v41, v0  }
0x40: {  	(v2sf) =	vpush v0, $0x0  }
0x41: {  	(v2sf) =	vpush v0, $0x1  }
0x42: {  	(v2sf) =	vpush v0, $0x2  }
0x43: {  	(v2sf) =	vpush v0, $0x3  }
0x44: {  	(v2sf) =	vpush v0, $0x4  }
0x45: {  	(v2sf) =	vpush v0, $0x5  }
0x46: {  	(v2sf) =	vpush v0, $0x6  }
0x47: {  	(v2sf) =	vpush v0, $0x7  }
0x48: {  	(v2sf) =	vpush v0, $0x8  }
0x49: {  	(v2sf) =	vpush v0, $0x9  }
0x4a: {  	(v2sf) =	vpush v0, $0xA  }
0x4b: {  	(v2sf) =	vpush v0, $0xB  }
0x4c: {  	(v2sf) =	vpush v0, $0xC  }
0x4d: {  	(v2sf) =	vpush v0, $0xD  }
0x4e: {  	(v2sf) =	vpush v0, $0xE  }
0x4f: {  	s17 =	spop (v2sf);
	(v2sf) =	vpush v0, $0xF  }
0x50: {  	s18 =	spop (v2sf)  }
0x51: {  	s19 =	spop (v2sf)  }
0x52: {  	s20 =	spop (v2sf)  }
0x53: {  	s10 =	spop (v2sf)  }
0x54: {  	s11 =	spop (v2sf)  }
0x55: {  	s12 =	spop (v2sf)  }
0x56: {  	s6 =	sadd.s32 s17, s18;
	s13 =	spop (v2sf)  }
0x57: {  	s6 =	sadd.s32 s19, s6;
	s21 =	spop (v2sf)  }
0x58: {  	s6 =	sadd.s32 s20, s6;
	s22 =	spop (v2sf)  }
0x59: {  	s6 =	sadd.s32 s10, s6;
	s23 =	spop (v2sf)  }
0x5a: {  	s6 =	sadd.s32 s11, s6;
	s24 =	spop (v2sf)  }
0x5b: {  	s6 =	sadd.s32 s12, s6;
	s25 =	spop (v2sf)  }
0x5c: {  	s6 =	sadd.s32 s13, s6;
	s26 =	spop (v2sf)  }
0x5d: {  	s6 =	sadd.s32 s21, s6;
	s28 =	spop (v2sf)  }
0x5e: {  	s30 =	simm.s32 $0x1;
	s6 =	sadd.s32 s22, s6;
	s29 =	spop (v2sf)  }
0x5f: {  	s6 =	sadd.s32 s23, s6;
	_ =	swait.ge [sflag:s30], $0x400  }
0x60: {  	s6 =	sadd.s32 s24, s6;
	[sflag:s30] =	ssyncset.done $0x0  }
0x61: {  	s6 =	sadd.s32 s25, s6;
	[sflag:s30] =	ssyncadd.s32 $0xFFFFFC00  }
0x62: {  	s6 =	sadd.s32 s26, s6;
	_ =	swait.ge [sflag:s30], $0x400  }
0x63: {  	s6 =	sadd.s32 s28, s6;
	[sflag:s30] =	ssyncset.done $0x0  }
0x64: {  	s6 =	sadd.s32 s29, s6;
	[sflag:s30] =	ssyncadd.s32 $0xFFFFFC00  }
0x65: {  	s6 =	sadd.s32 $0xFFFFFFFF, s6;
	_ =	swait.ge [sflag:s30], $0x400  }
0x66: {  	p0 =	seq.s32 s6, $0x1FF;
	[sflag:s30] =	ssyncset.done $0x0  }
0x67: {  	s7 =	sshrl.u32 @!p0 s6, $0x3;
	[sflag:s30] =	ssyncadd.s32 $0xFFFFFC00  }
0x68: {  	s6 =	sshll.u32 @!p0 s6, $0x7;
	s7 =	smul.u32 @!p0 $0x3E800, s7;
	_ =	swait.ge [sflag:s30], $0x400  }
0x69: {  	s6 =	sand.u32 @!p0 $0x380, s6;
	[sflag:s30] =	ssyncset.done $0x0  }
0x6a: {  	s6 =	sor.u32 @!p0 s6, s7;
	[sflag:s30] =	ssyncadd.s32 $0xFFFFFC00  }
0x6b: {  	s8 =	simm.s32 @!p0 $0x80;
	s7 =	sadd.s32 @!p0 $0x800, s6;
	_ =	swait.ge [sflag:s30], $0x400  }
0x6c: {  	s9 =	simm.s32 @!p0 $0xFA0000;
	s7 =	sshrl.u32 @!p0 s7, $0x3;
	[sflag:s30] =	ssyncset.done $0x0  }
0x6d: {  	s10 =	simm.s32 @!p0 $0x200;
	s7 =	sadd.s32 @!p0 s5, s7;
	[sflag:s30] =	ssyncadd.s32 $0xFFFFFC00  }
0x6e: {  	[tilespmem:s10], [sflag:$0x1] =	stream.strided.gather @!p0 [hbm4b:s7+s8], $0x400, s9, s8, $0x38;
	[tilespmem:$0x1A00] =	vst v63  }
0x6f: {  	s7 =	sadd.s32 @!p0 $0x2000, s6  }
0x70: {  	s7 =	sshrl.u32 @!p0 s7, $0x3  }
0x71: {  	s10 =	simm.s32 @!p0 $0x600;
	s7 =	sadd.s32 @!p0 s5, s7  }
0x72: {  	[tilespmem:s10], [sflag:$0x1] =	stream.strided.gather @!p0 [hbm4b:s7+s8], $0x400, s9, s8, $0x38;
	[tilespmem:$0x1A00] =	vst v63  }
0x73: {  	s7 =	sadd.s32 @!p0 $0x8C00, s6  }
0x74: {  	s7 =	sshrl.u32 @!p0 s7, $0x3  }
0x75: {  	s10 =	simm.s32 @!p0 $0xA00;
	s7 =	sadd.s32 @!p0 s5, s7  }
0x76: {  	[tilespmem:s10], [sflag:$0x1] =	stream.strided.gather @!p0 [hbm4b:s7+s8], $0x400, s9, s8, $0x38;
	[tilespmem:$0x1A00] =	vst v63  }
0x77: {  	s7 =	sadd.s32 @!p0 $0x13400, s6  }
0x78: {  	s6 =	sadd.s32 @!p0 $0x1D400, s6;
	s7 =	sshrl.u32 @!p0 s7, $0x3  }
0x79: {  	s10 =	simm.s32 @!p0 $0xE00;
	s6 =	sshrl.u32 @!p0 s6, $0x3;
	s7 =	sadd.s32 @!p0 s5, s7  }
0x7a: {  	[tilespmem:s10], [sflag:$0x1] =	stream.strided.gather @!p0 [hbm4b:s7+s8], $0x400, s9, s8, $0x38;
	[tilespmem:$0x1A00] =	vst v63  }
0x7b: {  	s5 =	sadd.s32 @!p0 s5, s6;
	s6 =	simm.s32 @!p0 $0x1200  }
0x7c: {  	v42 =	vimm.s32 $0x59;
	vm6 =	vcmask $0x704;
	[tilespmem:s6], [sflag:$0x1] =	stream.strided.gather @!p0 [hbm4b:s5+s8], $0x400, s9, s8, $0x38;
	[tilespmem:$0x1A00] =	vst v63  }
0x7d: {  	vm5 =	vcmask $0xB08;
	v43 =	vimm.s32 $0x44D;
	vm4 =	vcmask $0xF0C;
	s5 =	simm.s32 @!p0 $0x1  }
0x7e: {  	vm0 =	vcmask $0x1310;
	vm1 =	vcmask $0x1714;
	vm2 =	vcmask $0x1B18;
	_ =	swait.ge @!p0 [sflag:s5], $0x400  }
0x7f: {  	vm3 =	vcmask $0x1F1C;
	v44 =	vimm.s32 $0x82B;
	v1 =	vsel vm6, $0x4CD, v43;
	[sflag:s5] =	ssyncset.done @!p0 $0x0  }
0x80: {  	v45 =	vimm.s32 $0xC10;
	v1 =	vsel vm5, $0x54D, v1;
	v2 =	vsel vm6, $0x8AB, v44;
	[sflag:s5] =	ssyncadd.s32 @!p0 $0xFFFFFC00  }
0x81: {  	v46 =	vimm.s32 $0x1018;
	v1 =	vsel vm4, $0x5CD, v1;
	v2 =	vsel vm5, $0x92B, v2;
	_ =	swait.ge @!p0 [sflag:s5], $0x400  }
0x82: {  	v3 =	vsel vm6, $0xC90, v45;
	v1 =	vsel vm0, $0x64D, v1;
	v0 =	vsel vm6, $0xD9, v42;
	[sflag:s5] =	ssyncset.done @!p0 $0x0  }
0x83: {  	v2 =	vsel vm4, $0x9AB, v2;
	v3 =	vsel vm5, $0xD10, v3;
	v0 =	vsel vm5, $0x159, v0;
	[sflag:s5] =	ssyncadd.s32 @!p0 $0xFFFFFC00  }
0x84: {  	v4 =	vsel vm6, $0x1098, v46;
	v1 =	vsel vm1, $0x6CD, v1;
	v0 =	vsel vm4, $0x1D9, v0;
	_ =	swait.ge @!p0 [sflag:s5], $0x400  }
0x85: {  	v2 =	vsel vm0, $0xA2B, v2;
	v3 =	vsel vm4, $0xD90, v3;
	v0 =	vsel vm0, $0x259, v0;
	[sflag:s5] =	ssyncset.done @!p0 $0x0  }
0x86: {  	v4 =	vsel vm5, $0x1118, v4;
	v1 =	vsel vm2, $0x74D, v1;
	v0 =	vsel vm1, $0x2D9, v0;
	[sflag:s5] =	ssyncadd.s32 @!p0 $0xFFFFFC00  }
0x87: {  	v2 =	vsel vm1, $0xAAB, v2;
	v3 =	vsel vm0, $0xE10, v3;
	v0 =	vsel vm2, $0x359, v0;
	_ =	swait.ge @!p0 [sflag:s5], $0x400  }
0x88: {  	v4 =	vsel vm4, $0x1198, v4;
	v1 =	vsel vm3, $0x7CD, v1;
	v0 =	vsel vm3, $0x3D9, v0;
	[sflag:s5] =	ssyncset.done @!p0 $0x0  }
0x89: {  	v2 =	vsel vm2, $0xB2B, v2;
	v3 =	vsel vm1, $0xE90, v3;
	v4 =	vsel vm0, $0x1218, v4;
	[sflag:s5] =	ssyncadd.s32 @!p0 $0xFFFFFC00  }
0x8a: {  	v2 =	vsel vm3, $0xBAB, v2;
	v3 =	vsel vm2, $0xF10, v3;
	v4 =	vsel vm1, $0x1298, v4;
	_ =	swait.ge @!p0 [sflag:s5], $0x400  }
0x8b: {  	v3 =	vsel vm3, $0xF90, v3;
	v4 =	vsel vm2, $0x1318, v4;
	[sflag:s5] =	ssyncset.done @!p0 $0x0  }
0x8c: {  	v4 =	vsel vm3, $0x1398, v4;
	[sflag:s5] =	ssyncadd.s32 @!p0 $0xFFFFFC00  }
0x8d: {  	v0 =	vld.idx.msk [tilespmem:v0+s4+$0x0], $0xffff  }
0x8e: {  	v1 =	vld.idx.msk [tilespmem:v1+s4+$0x0], $0xffff  }
0x8f: {  	v2 =	vld.idx.msk [tilespmem:v2+s4+$0x0], $0xffff  }
0x90: {  	v3 =	vld.idx.msk [tilespmem:v3+s4+$0x0], $0xffff  }
0x91: {  	v4 =	vld.idx.msk [tilespmem:v4+s4+$0x0], $0xffff;
	_ =	sdelay $0x1  }
0x92: {  	v47 =	vmax.f32 v0, v1  }
0x93: {  	v5 =	vmax.f32 v47, v2  }
0x94: {  	v5 =	vmax.f32 v5, v3  }
0x95: {  	v5 =	vmax.f32 v5, v4  }
0x96: {  	v0 =	vsub.f32 v0, v5  }
0x97: {  	v1 =	vsub.f32 v1, v5  }
0x98: {  	v0 =	vmul.f32 $1.442695020e+00, v0  }
0x99: {  	v2 =	vsub.f32 v2, v5;
	v1 =	vmul.f32 $1.442695020e+00, v1  }
0x9a: {  	(erf) = vpow2.f32 v0  }
0x9b: {  	v49 =	vsub.f32 v3, v5;
	v48 =	vmul.f32 $1.442695020e+00, v2;
	(erf) = vpow2.f32 v1;
	_ =	sdelay $0x1  }
0x9c: {  	v51 =	vsub.f32 v4, v5;
	v50 =	vmul.f32 $1.442695020e+00, v49;
	(erf) = vpow2.f32 v48;
	_ =	sdelay $0x1  }
0x9d: {  	v52 =	vmul.f32 $1.442695020e+00, v51;
	(erf) = vpow2.f32 v50;
	_ =	sdelay $0x1  }
0x9e: {  	(erf) = vpow2.f32 v52;
	_ =	sdelay $0x1  }
0x9f: {  	v53 =	vpop (erf)  }
0xa0: {  	v54 =	vpop (erf)  }
0xa1: {  	v55 =	vadd.f32 v54, v53  }
0xa2: {  	v56 =	vpop (erf)  }
0xa3: {  	v2 =	vadd.f32 v55, v56  }
0xa4: {  	v57 =	vpop (erf)  }
0xa5: {  	v2 =	vadd.f32 v2, v57  }
0xa6: {  	v6 =	vimm.s32 $0x0;
	v60 =	vimm.s32 $0x1;
	v7 =	vimm.s32 $0x2;
	v58 =	vpop (erf)  }
0xa7: {  	v8 =	vimm.s32 $0x3;
	v9 =	vimm.s32 $0x4;
	v2 =	vadd.f32 v2, v58  }
0xa8: {  	v6 =	vsel vm6, $0x80, v6;
	v7 =	vsel vm6, $0x82, v7;
	v8 =	vsel vm6, $0x83, v8  }
0xa9: {  	v9 =	vsel vm6, $0x84, v9;
	v59 =	vsel vm5, $0x100, v6;
	(erf) = vrcp.f32 v2  }
0xaa: {  	v6 =	vsel vm6, $0x81, v60;
	v7 =	vsel vm5, $0x102, v7;
	v8 =	vsel vm5, $0x103, v8  }
0xab: {  	v9 =	vsel vm5, $0x104, v9;
	v6 =	vsel vm5, $0x101, v6;
	v7 =	vsel vm4, $0x182, v7  }
0xac: {  	v8 =	vsel vm4, $0x183, v8;
	v9 =	vsel vm4, $0x184, v9;
	v2 =	vsel vm4, $0x180, v59  }
0xad: {  	v6 =	vsel vm4, $0x181, v6;
	v7 =	vsel vm0, $0x202, v7;
	v2 =	vsel vm0, $0x200, v2  }
0xae: {  	v8 =	vsel vm0, $0x203, v8;
	v6 =	vsel vm0, $0x201, v6;
	v2 =	vsel vm1, $0x280, v2  }
0xaf: {  	v9 =	vsel vm0, $0x204, v9;
	v6 =	vsel vm1, $0x281, v6;
	v2 =	vsel vm2, $0x300, v2  }
0xb0: {  	v7 =	vsel vm1, $0x282, v7;
	v6 =	vsel vm2, $0x301, v6;
	v2 =	vsel vm3, $0x380, v2  }
0xb1: {  	v8 =	vsel vm1, $0x283, v8;
	v7 =	vsel vm2, $0x302, v7;
	v6 =	vsel vm3, $0x381, v6  }
0xb2: {  	v9 =	vsel vm1, $0x284, v9;
	v8 =	vsel vm2, $0x303, v8;
	v7 =	vsel vm3, $0x382, v7;
	v10 =	vpop (erf)  }
0xb3: {  	v9 =	vsel vm2, $0x304, v9;
	v8 =	vsel vm3, $0x383, v8;
	v0 =	vmul.f32 v10, v53  }
0xb4: {  	s31 =	simm.s32 $0x1600;
	v9 =	vsel vm3, $0x384, v9;
	v1 =	vmul.f32 v10, v54  }
0xb5: {  	v61 =	vmul.f32 v10, v56;
	[tilespmem:v2+s31+$0x0] =	vst.idx.msk $0xff, v0  }
0xb6: {  	v62 =	vmul.f32 v10, v57;
	[tilespmem:v6+s31+$0x0] =	vst.idx.msk $0xff, v1  }
0xb7: {  	v63 =	vmul.f32 v10, v58;
	[tilespmem:v7+s31+$0x0] =	vst.idx.msk $0xff, v61  }
0xb8: {  	[tilespmem:v8+s31+$0x0] =	vst.idx.msk $0xff, v62  }
0xb9: {  	[tilespmem:v9+s31+$0x0] =	vst.idx.msk $0xff, v63  }
0xba: {  	[hbm4b:s1+s2] =	stream.linear.scatter [tilespmem:s31], [sflag:$0x2], $0x400, $0x38;
	[tilespmem:$0x1A00] =	vst v63  }
0xbb: {  	_ =	swait.ge [sflag:s16], $0x400  }
0xbc: {  	[sflag:s16] =	ssyncset.done $0x0  }
0xbd: {  	[sflag:s16] =	ssyncadd.s32 $0xFFFFFC00  }
0xbe: {  	_ =	sfence.sel $0x180000  }
0xbf: {  	[bflag:$0x0] =	sbarrier.arrive $0xFFFF  }
0xc0: {  	_ =	strace $0x90000047  }
0xc1: {  	s0 =	sadd.s32 $0x100000, s0;
	[bflag:$0x2] =	sbarrier.arrive $0xFFFF  }
0xc2: {  	[sflag:s0] =	ssyncadd.tile.s32 $0x1;
	_ =	shalt  }
.Lfunc_end2:
_tile_overlayer_lowered:
.L_overlay_start_2:
0xc3: {  	(tag) =	ssettag $0x2  }
0xc4: {  	s0 =	rddreg [dreg:$0x0];
	s2 =	stileid.u32  }
0xc5: {  	s1 =	rddreg [dreg:$0x1];
	p0 =	sne.s32 s2, $0x0  }
0xc6: {  	s3 =	rddreg [dreg:$0x2];
	[bflag:$0x3] =	sbarrier.arrive $0xFFFF;
	s2 =	simm.s32 @!p0 $0x1C02  }
0xc7: {  	[timem:s3], [sflag:s2] =	dma.local @!p0 [hbm:s0], s1  }
0xc8: {  	s0 =	simm.s32 @!p0 $0x2  }
0xc9: {  	_ =	swait.ge @!p0 [sflag:s0], s1  }
0xca: {  	s1 =	ssub.s32 @!p0 $0x0, s1;
	[sflag:s0] =	ssyncset.done @!p0 $0x0  }
0xcb: {  	[sflag:s0] =	ssyncadd.s32 @!p0 s1  }
0xcc: {  	[bflag:$0x3] =	sbarrier.arrive $0xFFFF  }
0xcd: {  	_ =	shalt  }

</sc_bundles>
